<compile_context>
chip_gen: v7x
topology: tpu7x:2x2x1
jax: 0.10.2.dev20260603
libtpu: 0.0.44.dev20260713+nightly
codegen_flags: <defaults>
</compile_context>

<pallas_src>
import jax
import jax.numpy as jnp
from jax import lax
from jax.experimental import pallas as pl
from jax.experimental.pallas import tpu as pltpu
from jax.experimental.pallas import tpu_sc as plsc

E = 23
K = 3
D = 768
H = 384
BT = 128
NT = 72
NW = 32
NEG = -1e30


def _gelu(v):
    return 0.5 * v * (1.0 + jax.lax.erf(v * 0.7071067811865476))


def _pack2(v):
    n = v.shape[1] // 2
    a = jax.lax.bitcast_convert_type(
        v[:, :n].astype(jnp.bfloat16).astype(jnp.float32), jnp.int32)
    b = jax.lax.bitcast_convert_type(
        v[:, n:].astype(jnp.bfloat16).astype(jnp.float32), jnp.int32)
    return jnp.bitwise_or(b, jax.lax.shift_right_logical(a, 16))


def _unpack2(u):
    a = jax.lax.bitcast_convert_type(jnp.left_shift(u, 16), jnp.float32)
    b = jax.lax.bitcast_convert_type(
        jnp.bitwise_and(u, jnp.int32(-65536)), jnp.float32)
    return jnp.concatenate([a, b], axis=1)


def _gate_kernel(x_ref, wg_ref, bg_ref, bias_ref,
                 topw_ref, pos_ref, te_ref, aux_ref, xpk_ref):
    T = x_ref.shape[0]
    x = x_ref[...]
    logits = jax.lax.dot_general(x, wg_ref[...], (((1,), (1,)), ((), ())),
                                 preferred_element_type=jnp.float32)
    gw = jax.nn.sigmoid(logits + bg_ref[...])
    lane = jax.lax.broadcasted_iota(jnp.int32, (T, E), 1)
    sel = gw + bias_ref[...]

    masks, vals = [], []
    for _ in range(K):
        m = jnp.max(sel, axis=1, keepdims=True)
        ismax = sel == m
        idx = jnp.min(jnp.where(ismax, lane, E), axis=1, keepdims=True)
        onek = lane == idx
        masks.append(onek)
        vals.append(jnp.sum(jnp.where(onek, gw, 0.0), axis=1, keepdims=True))
        sel = jnp.where(onek, NEG, sel)

    wsum = vals[0] + vals[1] + vals[2]
    o3 = (masks[0].astype(jnp.float32) + masks[1].astype(jnp.float32)
          + masks[2].astype(jnp.float32))
    counts_f = jnp.sum(o3, axis=0, keepdims=True)

    CB = 256
    tri = (jax.lax.broadcasted_iota(jnp.int32, (CB, CB), 0)
           > jax.lax.broadcasted_iota(jnp.int32, (CB, CB), 1)).astype(jnp.float32)
    carry = jnp.zeros((1, E), jnp.float32)
    rows = []
    for b in range(T // CB):
        ob = o3[b * CB:(b + 1) * CB]
        rows.append(jax.lax.dot_general(tri, ob, (((1,), (0,)), ((), ())),
                                        preferred_element_type=jnp.float32) + carry)
        carry = carry + jnp.sum(ob, axis=0, keepdims=True)
    cnt_before = jnp.concatenate(rows, axis=0)

    ntiles = jnp.floor((counts_f + (BT - 1)) / BT)
    triu = (jax.lax.broadcasted_iota(jnp.int32, (E, E), 0)
            < jax.lax.broadcasted_iota(jnp.int32, (E, E), 1)).astype(jnp.float32)
    poffset = BT * jax.lax.dot_general(ntiles, triu, (((1,), (0,)), ((), ())),
                                       preferred_element_type=jnp.float32)

    slot_f = cnt_before + poffset
    lane_k = jax.lax.broadcasted_iota(jnp.int32, (T, K), 1)
    topw = jnp.zeros((T, K), jnp.float32)
    pos = jnp.zeros((T, K), jnp.float32)
    for k in range(K):
        pos_k = jnp.sum(jnp.where(masks[k], slot_f, 0.0), axis=1, keepdims=True)
        topw = topw + jnp.where(lane_k == k, vals[k] / wsum, 0.0)
        pos = pos + jnp.where(lane_k == k, pos_k, 0.0)

    topw_ref[...] = topw
    pos_ref[...] = pos.astype(jnp.int32)

    excl = (poffset / BT).astype(jnp.int32)
    jj = jax.lax.broadcasted_iota(jnp.int32, (E, NT), 1)
    lemask = (jnp.broadcast_to(excl.reshape(E, 1), (E, NT)) <= jj)
    te_ref[...] = (jnp.sum(lemask.astype(jnp.float32), axis=0, keepdims=True)
                   - 1.0).astype(jnp.int32)

    gwn = gw / jnp.sum(gw, axis=1, keepdims=True)
    Pv = jnp.sum(gwn, axis=0, keepdims=True) / T
    Fv = E * counts_f / (K * T)
    aux_ref[...] = jnp.sum(Pv * Fv, keepdims=True)
    xpk_ref[...] = _pack2(x)


def _ffn_kernel(te_ref, xs_ref, w1_ref, b1_ref, w2_ref, b2_ref, ys_ref):
    x = _unpack2(xs_ref[...]).astype(jnp.bfloat16)
    w1 = w1_ref[...][0].astype(jnp.bfloat16)
    h = jax.lax.dot_general(x, w1, (((1,), (1,)), ((), ())),
                            preferred_element_type=jnp.float32) + b1_ref[...][0]
    h = _gelu(h).astype(jnp.bfloat16)
    w2 = w2_ref[...][0].astype(jnp.bfloat16)
    y = jax.lax.dot_general(h, w2, (((1,), (1,)), ((), ())),
                            preferred_element_type=jnp.float32) + b2_ref[...][0]
    ys_ref[...] = _pack2(y)


def _combine_kernel(x_ref, yg_ref, tw_ref, ws1_ref, bs1_ref, ws2_ref, bs2_ref,
                    o_ref):
    x = _unpack2(x_ref[...]).astype(jnp.bfloat16)
    ws1 = ws1_ref[...].astype(jnp.bfloat16)
    h = jax.lax.dot_general(x, ws1, (((1,), (1,)), ((), ())),
                            preferred_element_type=jnp.float32) + bs1_ref[...]
    h = _gelu(h).astype(jnp.bfloat16)
    ws2 = ws2_ref[...].astype(jnp.bfloat16)
    acc = jax.lax.dot_general(h, ws2, (((1,), (1,)), ((), ())),
                              preferred_element_type=jnp.float32) + bs2_ref[...]
    tw = tw_ref[...]
    yg = yg_ref[...]
    W2K = D // 2
    for k in range(K):
        acc = acc + tw[:, k:k + 1] * _unpack2(yg[:, k * W2K:(k + 1) * W2K])
    o_ref[...] = acc


def _disp_kernel(x_hbm, p0_hbm, p1_hbm, p2_hbm, xs_hbm,
                 rows_v, i0_v, i1_v, i2_v, sem):
    wid = lax.axis_index("s") * 2 + lax.axis_index("c")
    TW = rows_v.shape[0]
    base = wid * TW
    pltpu.sync_copy(x_hbm.at[pl.ds(base, TW)], rows_v)
    pltpu.sync_copy(p0_hbm.at[pl.ds(base, TW)], i0_v)
    pltpu.sync_copy(p1_hbm.at[pl.ds(base, TW)], i1_v)
    pltpu.sync_copy(p2_hbm.at[pl.ds(base, TW)], i2_v)
    d0 = pltpu.async_copy(rows_v, xs_hbm.at[i0_v], sem)
    d1 = pltpu.async_copy(rows_v, xs_hbm.at[i1_v], sem)
    d2 = pltpu.async_copy(rows_v, xs_hbm.at[i2_v], sem)
    d0.wait()
    d1.wait()
    d2.wait()


def _gath_kernel(ys_hbm, pf_hbm, yg_hbm, r0_v, r1_v, i0_v, i1_v, sem):
    wid = lax.axis_index("s") * 2 + lax.axis_index("c")
    CW = r0_v.shape[0]
    nchunk = pf_hbm.shape[0] // (NW * CW)
    rows = (r0_v, r1_v)
    idxs = (i0_v, i1_v)
    base0 = wid * (CW * nchunk)
    pltpu.sync_copy(pf_hbm.at[pl.ds(base0, CW)], i0_v)
    pend = pltpu.async_copy(ys_hbm.at[i0_v], r0_v, sem)
    for c in range(nchunk):
        if c + 1 < nchunk:
            nb = base0 + (c + 1) * CW
            pltpu.sync_copy(pf_hbm.at[pl.ds(nb, CW)], idxs[(c + 1) % 2])
            nxt = pltpu.async_copy(ys_hbm.at[idxs[(c + 1) % 2]],
                                   rows[(c + 1) % 2], sem)
        pend.wait()
        pltpu.sync_copy(rows[c % 2], yg_hbm.at[pl.ds(base0 + c * CW, CW)])
        if c + 1 < nchunk:
            pend = nxt


def kernel(x, Wg, bg, W1, b1, W2, b2, Ws1, bs1, Ws2, bs2, bias):
    o_shape = x.shape
    x2 = x.reshape(-1, D)
    T = x2.shape[0]
    PADN = NT * BT

    topw, pos, te, aux, xpk = pl.pallas_call(
        _gate_kernel,
        out_shape=[
            jax.ShapeDtypeStruct((T, K), jnp.float32),
            jax.ShapeDtypeStruct((T, K), jnp.int32),
            jax.ShapeDtypeStruct((1, NT), jnp.int32),
            jax.ShapeDtypeStruct((1, 1), jnp.float32),
            jax.ShapeDtypeStruct((T, D // 2), jnp.int32),
        ],
    )(x2, Wg, bg.reshape(1, E), bias.reshape(1, E))
    tile_expert = te.reshape(NT)

    TW = T // NW
    mesh = plsc.VectorSubcoreMesh(core_axis_name="c", subcore_axis_name="s")
    xs = pl.kernel(
        _disp_kernel,
        out_type=jax.ShapeDtypeStruct((PADN, D // 2), jnp.int32),
        mesh=mesh,
        scratch_types=[
            pltpu.VMEM((TW, D // 2), jnp.int32),
            pltpu.VMEM((TW,), jnp.int32),
            pltpu.VMEM((TW,), jnp.int32),
            pltpu.VMEM((TW,), jnp.int32),
            pltpu.SemaphoreType.DMA,
        ],
    )(xpk, pos[:, 0], pos[:, 1], pos[:, 2])

    grid_spec = pltpu.PrefetchScalarGridSpec(
        num_scalar_prefetch=1,
        grid=(NT,),
        in_specs=[
            pl.BlockSpec((BT, D // 2), lambda j, te: (j, 0)),
            pl.BlockSpec((1, H, D), lambda j, te: (te[j], 0, 0)),
            pl.BlockSpec((1, 1, H), lambda j, te: (te[j], 0, 0)),
            pl.BlockSpec((1, D, H), lambda j, te: (te[j], 0, 0)),
            pl.BlockSpec((1, 1, D), lambda j, te: (te[j], 0, 0)),
        ],
        out_specs=pl.BlockSpec((BT, D // 2), lambda j, te: (j, 0)),
    )
    ys = pl.pallas_call(
        _ffn_kernel,
        grid_spec=grid_spec,
        out_shape=jax.ShapeDtypeStruct((PADN, D // 2), jnp.int32),
    )(tile_expert, xs, W1, b1.reshape(E, 1, H), W2, b2.reshape(E, 1, D))

    CW = 96
    yg = pl.kernel(
        _gath_kernel,
        out_type=jax.ShapeDtypeStruct((T * K, D // 2), jnp.int32),
        mesh=mesh,
        scratch_types=[
            pltpu.VMEM((CW, D // 2), jnp.int32),
            pltpu.VMEM((CW, D // 2), jnp.int32),
            pltpu.VMEM((CW,), jnp.int32),
            pltpu.VMEM((CW,), jnp.int32),
            pltpu.SemaphoreType.DMA,
        ],
    )(ys, pos.reshape(T * K))

    BTC = 512
    out = pl.pallas_call(
        _combine_kernel,
        grid=(T // BTC,),
        in_specs=[
            pl.BlockSpec((BTC, D // 2), lambda i: (i, 0)),
            pl.BlockSpec((BTC, K * D // 2), lambda i: (i, 0)),
            pl.BlockSpec((BTC, K), lambda i: (i, 0)),
            pl.BlockSpec((H, D), lambda i: (0, 0)),
            pl.BlockSpec((1, H), lambda i: (0, 0)),
            pl.BlockSpec((D, H), lambda i: (0, 0)),
            pl.BlockSpec((1, D), lambda i: (0, 0)),
        ],
        out_specs=pl.BlockSpec((BTC, D), lambda i: (i, 0)),
        out_shape=jax.ShapeDtypeStruct((T, D), jnp.float32),
    )(xpk, yg.reshape(T, K * D // 2), topw, Ws1, bs1.reshape(1, H),
      Ws2, bs2.reshape(1, D))

    return out.reshape(o_shape), aux[0, 0]

# --- scband reference (transcript-rebuilt; emitter-appended) ---
"""Pipeline reference for scband-moemlp-10797547782275 (READ-ONLY COPY).

The authoritative reference and input builder live on the scoring server;
editing this copy changes nothing except your own understanding.
"""

import jax, jax.numpy as jnp
import numpy as np

E = 23  # unique experts (hard-coded in module)
K = 3   # act_experts_num
D = 768
H = 384

def setup_inputs(seed: int = 0) -> dict:
    key = jax.random.key(seed)
    ks = jax.random.split(key, 8)
    def init(k, shape, fan_in):
        return (jax.random.normal(k, shape, dtype=jnp.float32) / np.sqrt(fan_in)).astype(jnp.float32)
    return {
        "x": jax.random.normal(ks[0], (1, 2048, D), dtype=jnp.float32),
        "Wg": init(ks[1], (E, D), D),
        "bg": jnp.zeros((E,), jnp.float32),
        "W1": init(ks[2], (E, H, D), D),
        "b1": jnp.zeros((E, H), jnp.float32),
        "W2": init(ks[3], (E, D, H), H),
        "b2": jnp.zeros((E, D), jnp.float32),
        "Ws1": init(ks[4], (H, D), D),
        "bs1": jnp.zeros((H,), jnp.float32),
        "Ws2": init(ks[5], (D, H), H),
        "bs2": jnp.zeros((D,), jnp.float32),
        "bias": jnp.zeros((E,), jnp.float32),  # registered buffer, zeros
    }

def reference(x, Wg, bg, W1, b1, W2, b2, Ws1, bs1, Ws2, bs2, bias):
    o_shape = x.shape
    x2 = x.reshape(-1, o_shape[-1])
    T = x2.shape[0]
    gate_weights = jax.nn.sigmoid(x2 @ Wg.T + bg)                      # [T, E]
    _, top_indices = jax.lax.top_k(gate_weights + bias, K)             # [T, K]
    top_weight = jnp.take_along_axis(gate_weights, top_indices, axis=-1)
    top_weight = top_weight / jnp.sum(top_weight, axis=-1, keepdims=True)
    # dense-equivalent dispatch: per-token per-expert combine weight
    onehot = jax.nn.one_hot(top_indices, E, dtype=x2.dtype)            # [T, K, E]
    w = jnp.sum(top_weight[:, :, None] * onehot, axis=1)               # [T, E]
    # all unique experts (zero-weight contributions vanish; same math as sparse dispatch)
    h = jax.nn.gelu(jnp.einsum('td,ehd->teh', x2, W1) + b1, approximate=False)  # [T, E, H]
    eo = jnp.einsum('teh,edh->ted', h, W2) + b2                        # [T, E, D]
    expert_out = jnp.sum(w[:, :, None] * eo, axis=1)                   # [T, D]
    share = jax.nn.gelu(x2 @ Ws1.T + bs1, approximate=False) @ Ws2.T + bs2
    out = share + expert_out
    # load-balance aux loss
    gwn = gate_weights / jnp.sum(gate_weights, axis=-1, keepdims=True)
    P = jnp.mean(gwn, axis=0)
    expert_num = jnp.bincount(top_indices.reshape(-1), length=E).astype(jnp.float32)
    Fv = E * expert_num / (K * T)
    aux = jnp.sum(P * Fv)
    return out.reshape(o_shape), aux

if __name__ == "__main__":
    import jax
    _d = setup_inputs()
    print(jax.jit(kernel)(*tuple(_d.values())))

</pallas_src>

<mosaic_0001>
#map = affine_map<(d0, d1) -> (0, 0)>
#map1 = affine_map<(d0, d1) -> (0)>
module attributes {stable_mosaic.version = 14 : i64} {
  func.func @_disp_kernel(%arg0: i32, %arg1: i32, %arg2: memref<2048x384xi32, #tpu.memory_space<hbm>>, %arg3: memref<2048xi32, #tpu.memory_space<hbm>>, %arg4: memref<2048xi32, #tpu.memory_space<hbm>>, %arg5: memref<2048xi32, #tpu.memory_space<hbm>>, %arg6: memref<9216x384xi32, #tpu.memory_space<hbm>>, %arg7: memref<64x384xi32, #tpu.memory_space<vmem>>, %arg8: memref<64xi32, #tpu.memory_space<vmem>>, %arg9: memref<64xi32, #tpu.memory_space<vmem>>, %arg10: memref<64xi32, #tpu.memory_space<vmem>>, %arg11: memref<!tpu.dma_semaphore, #tpu.memory_space<semaphore_mem>>) attributes {dimension_semantics = [#tpu.dimension_semantics<core_parallel>, #tpu.dimension_semantics<subcore_parallel>], iteration_bounds = array<i64: 2, 16>, scalar_prefetch = 0 : i64, scratch_operands = 5 : i64, tpu.core_type = #tpu.core_type<sc_vector_subcore>, window_params = [{transform_indices = #map}, {transform_indices = #map1}, {transform_indices = #map1}, {transform_indices = #map1}, {transform_indices = #map}]} {
    %mul3A = arith.constant 2 : i32
    %mul3A_0 = arith.muli %arg1, %mul3A : i32
    %add3A = arith.addi %mul3A_0, %arg0 : i32
    %mul3A_1 = arith.constant 64 : i32
    %mul3A_2 = arith.muli %add3A, %mul3A_1 : i32
    "tpu.region"() ({
      %run_scoped3A = tpu.sem_alloc : memref<!tpu.dma_semaphore, #tpu.memory_space<semaphore_mem>>
      %dma_start3A_19 = arith.constant 0 : i32
      %dma_start3A_20 = tpu.memref_slice %arg2[%mul3A_2, %dma_start3A_19] : memref<2048x384xi32, #tpu.memory_space<hbm>> -> memref<64x384xi32, #tpu.memory_space<hbm>>
      %dma_start3A_21 = arith.constant 0 : i32
      %dma_start3A_22 = tpu.memref_slice %arg2[%mul3A_2, %dma_start3A_21] : memref<2048x384xi32, #tpu.memory_space<hbm>> -> memref<64x384xi32, #tpu.memory_space<hbm>>
      tpu.enqueue_dma source(%dma_start3A_22 : memref<64x384xi32, #tpu.memory_space<hbm>>) target(%arg7 : memref<64x384xi32, #tpu.memory_space<vmem>>) target_semaphore(%run_scoped3A : memref<!tpu.dma_semaphore, #tpu.memory_space<semaphore_mem>>)
      %dma_wait3A_23 = arith.constant 0 : i32
      %dma_wait3A_24 = tpu.memref_slice %arg2[%mul3A_2, %dma_wait3A_23] : memref<2048x384xi32, #tpu.memory_space<hbm>> -> memref<64x384xi32, #tpu.memory_space<hbm>>
      %dma_wait3A_25 = arith.constant 0 : i32
      %dma_wait3A_26 = tpu.memref_slice %arg2[%mul3A_2, %dma_wait3A_25] : memref<2048x384xi32, #tpu.memory_space<hbm>> -> memref<64x384xi32, #tpu.memory_space<hbm>>
      tpu.wait_dma2 semaphore(%run_scoped3A : memref<!tpu.dma_semaphore, #tpu.memory_space<semaphore_mem>>) src(%dma_wait3A_26 : memref<64x384xi32, #tpu.memory_space<hbm>>) dst(%arg7 : memref<64x384xi32, #tpu.memory_space<vmem>>)
      tpu.yield
    }) : () -> ()
    "tpu.region"() ({
      %run_scoped3A = tpu.sem_alloc : memref<!tpu.dma_semaphore, #tpu.memory_space<semaphore_mem>>
      %dma_start3A_19 = tpu.memref_slice %arg3[%mul3A_2] : memref<2048xi32, #tpu.memory_space<hbm>> -> memref<64xi32, #tpu.memory_space<hbm>>
      %dma_start3A_20 = tpu.memref_slice %arg3[%mul3A_2] : memref<2048xi32, #tpu.memory_space<hbm>> -> memref<64xi32, #tpu.memory_space<hbm>>
      tpu.enqueue_dma source(%dma_start3A_20 : memref<64xi32, #tpu.memory_space<hbm>>) target(%arg8 : memref<64xi32, #tpu.memory_space<vmem>>) target_semaphore(%run_scoped3A : memref<!tpu.dma_semaphore, #tpu.memory_space<semaphore_mem>>)
      %dma_wait3A_21 = tpu.memref_slice %arg3[%mul3A_2] : memref<2048xi32, #tpu.memory_space<hbm>> -> memref<64xi32, #tpu.memory_space<hbm>>
      %dma_wait3A_22 = tpu.memref_slice %arg3[%mul3A_2] : memref<2048xi32, #tpu.memory_space<hbm>> -> memref<64xi32, #tpu.memory_space<hbm>>
      tpu.wait_dma2 semaphore(%run_scoped3A : memref<!tpu.dma_semaphore, #tpu.memory_space<semaphore_mem>>) src(%dma_wait3A_22 : memref<64xi32, #tpu.memory_space<hbm>>) dst(%arg8 : memref<64xi32, #tpu.memory_space<vmem>>)
      tpu.yield
    }) : () -> ()
    "tpu.region"() ({
      %run_scoped3A = tpu.sem_alloc : memref<!tpu.dma_semaphore, #tpu.memory_space<semaphore_mem>>
      %dma_start3A_19 = tpu.memref_slice %arg4[%mul3A_2] : memref<2048xi32, #tpu.memory_space<hbm>> -> memref<64xi32, #tpu.memory_space<hbm>>
      %dma_start3A_20 = tpu.memref_slice %arg4[%mul3A_2] : memref<2048xi32, #tpu.memory_space<hbm>> -> memref<64xi32, #tpu.memory_space<hbm>>
      tpu.enqueue_dma source(%dma_start3A_20 : memref<64xi32, #tpu.memory_space<hbm>>) target(%arg9 : memref<64xi32, #tpu.memory_space<vmem>>) target_semaphore(%run_scoped3A : memref<!tpu.dma_semaphore, #tpu.memory_space<semaphore_mem>>)
      %dma_wait3A_21 = tpu.memref_slice %arg4[%mul3A_2] : memref<2048xi32, #tpu.memory_space<hbm>> -> memref<64xi32, #tpu.memory_space<hbm>>
      %dma_wait3A_22 = tpu.memref_slice %arg4[%mul3A_2] : memref<2048xi32, #tpu.memory_space<hbm>> -> memref<64xi32, #tpu.memory_space<hbm>>
      tpu.wait_dma2 semaphore(%run_scoped3A : memref<!tpu.dma_semaphore, #tpu.memory_space<semaphore_mem>>) src(%dma_wait3A_22 : memref<64xi32, #tpu.memory_space<hbm>>) dst(%arg9 : memref<64xi32, #tpu.memory_space<vmem>>)
      tpu.yield
    }) : () -> ()
    "tpu.region"() ({
      %run_scoped3A = tpu.sem_alloc : memref<!tpu.dma_semaphore, #tpu.memory_space<semaphore_mem>>
      %dma_start3A_19 = tpu.memref_slice %arg5[%mul3A_2] : memref<2048xi32, #tpu.memory_space<hbm>> -> memref<64xi32, #tpu.memory_space<hbm>>
      %dma_start3A_20 = tpu.memref_slice %arg5[%mul3A_2] : memref<2048xi32, #tpu.memory_space<hbm>> -> memref<64xi32, #tpu.memory_space<hbm>>
      tpu.enqueue_dma source(%dma_start3A_20 : memref<64xi32, #tpu.memory_space<hbm>>) target(%arg10 : memref<64xi32, #tpu.memory_space<vmem>>) target_semaphore(%run_scoped3A : memref<!tpu.dma_semaphore, #tpu.memory_space<semaphore_mem>>)
      %dma_wait3A_21 = tpu.memref_slice %arg5[%mul3A_2] : memref<2048xi32, #tpu.memory_space<hbm>> -> memref<64xi32, #tpu.memory_space<hbm>>
      %dma_wait3A_22 = tpu.memref_slice %arg5[%mul3A_2] : memref<2048xi32, #tpu.memory_space<hbm>> -> memref<64xi32, #tpu.memory_space<hbm>>
      tpu.wait_dma2 semaphore(%run_scoped3A : memref<!tpu.dma_semaphore, #tpu.memory_space<semaphore_mem>>) src(%dma_wait3A_22 : memref<64xi32, #tpu.memory_space<hbm>>) dst(%arg10 : memref<64xi32, #tpu.memory_space<vmem>>)
      tpu.yield
    }) : () -> ()
    %dma_start3A = arith.constant 0 : i32
    %dma_start3A_3 = arith.constant 0 : i32
    %dma_start3A_4 = tpu.memref_slice %arg6[%dma_start3A, %dma_start3A_3] : memref<9216x384xi32, #tpu.memory_space<hbm>> -> memref<9216x384xi32, #tpu.memory_space<hbm>>
    tpu.enqueue_indirect_dma source(%arg7 : memref<64x384xi32, #tpu.memory_space<vmem>>) target(%dma_start3A_4 : memref<9216x384xi32, #tpu.memory_space<hbm>>) offsets(%arg8 : memref<64xi32, #tpu.memory_space<vmem>>) semaphore(%arg11 : memref<!tpu.dma_semaphore, #tpu.memory_space<semaphore_mem>>)
    %dma_start3A_5 = arith.constant 0 : i32
    %dma_start3A_6 = arith.constant 0 : i32
    %dma_start3A_7 = tpu.memref_slice %arg6[%dma_start3A_5, %dma_start3A_6] : memref<9216x384xi32, #tpu.memory_space<hbm>> -> memref<9216x384xi32, #tpu.memory_space<hbm>>
    tpu.enqueue_indirect_dma source(%arg7 : memref<64x384xi32, #tpu.memory_space<vmem>>) target(%dma_start3A_7 : memref<9216x384xi32, #tpu.memory_space<hbm>>) offsets(%arg9 : memref<64xi32, #tpu.memory_space<vmem>>) semaphore(%arg11 : memref<!tpu.dma_semaphore, #tpu.memory_space<semaphore_mem>>)
    %dma_start3A_8 = arith.constant 0 : i32
    %dma_start3A_9 = arith.constant 0 : i32
    %dma_start3A_10 = tpu.memref_slice %arg6[%dma_start3A_8, %dma_start3A_9] : memref<9216x384xi32, #tpu.memory_space<hbm>> -> memref<9216x384xi32, #tpu.memory_space<hbm>>
    tpu.enqueue_indirect_dma source(%arg7 : memref<64x384xi32, #tpu.memory_space<vmem>>) target(%dma_start3A_10 : memref<9216x384xi32, #tpu.memory_space<hbm>>) offsets(%arg10 : memref<64xi32, #tpu.memory_space<vmem>>) semaphore(%arg11 : memref<!tpu.dma_semaphore, #tpu.memory_space<semaphore_mem>>)
    %dma_wait3A = arith.constant 0 : i32
    %dma_wait3A_11 = arith.constant 0 : i32
    %dma_wait3A_12 = tpu.memref_slice %arg6[%dma_wait3A, %dma_wait3A_11] : memref<9216x384xi32, #tpu.memory_space<hbm>> -> memref<9216x384xi32, #tpu.memory_space<hbm>>
    tpu.wait_indirect_dma semaphore(%arg11 : memref<!tpu.dma_semaphore, #tpu.memory_space<semaphore_mem>>) src(%arg7 : memref<64x384xi32, #tpu.memory_space<vmem>>) dst(%dma_wait3A_12 : memref<9216x384xi32, #tpu.memory_space<hbm>>)
    %dma_wait3A_13 = arith.constant 0 : i32
    %dma_wait3A_14 = arith.constant 0 : i32
    %dma_wait3A_15 = tpu.memref_slice %arg6[%dma_wait3A_13, %dma_wait3A_14] : memref<9216x384xi32, #tpu.memory_space<hbm>> -> memref<9216x384xi32, #tpu.memory_space<hbm>>
    tpu.wait_indirect_dma semaphore(%arg11 : memref<!tpu.dma_semaphore, #tpu.memory_space<semaphore_mem>>) src(%arg7 : memref<64x384xi32, #tpu.memory_space<vmem>>) dst(%dma_wait3A_15 : memref<9216x384xi32, #tpu.memory_space<hbm>>)
    %dma_wait3A_16 = arith.constant 0 : i32
    %dma_wait3A_17 = arith.constant 0 : i32
    %dma_wait3A_18 = tpu.memref_slice %arg6[%dma_wait3A_16, %dma_wait3A_17] : memref<9216x384xi32, #tpu.memory_space<hbm>> -> memref<9216x384xi32, #tpu.memory_space<hbm>>
    tpu.wait_indirect_dma semaphore(%arg11 : memref<!tpu.dma_semaphore, #tpu.memory_space<semaphore_mem>>) src(%arg7 : memref<64x384xi32, #tpu.memory_space<vmem>>) dst(%dma_wait3A_18 : memref<9216x384xi32, #tpu.memory_space<hbm>>)
    return
  }
}

#map = affine_map<(d0, d1) -> (0, 0)>
#map1 = affine_map<(d0, d1) -> (0)>
module attributes {stable_mosaic.version = 14 : i64} {
  func.func @_gath_kernel(%arg0: i32, %arg1: i32, %arg2: memref<9216x384xi32, #tpu.memory_space<hbm>>, %arg3: memref<6144xi32, #tpu.memory_space<hbm>>, %arg4: memref<6144x384xi32, #tpu.memory_space<hbm>>, %arg5: memref<96x384xi32, #tpu.memory_space<vmem>>, %arg6: memref<96x384xi32, #tpu.memory_space<vmem>>, %arg7: memref<96xi32, #tpu.memory_space<vmem>>, %arg8: memref<96xi32, #tpu.memory_space<vmem>>, %arg9: memref<!tpu.dma_semaphore, #tpu.memory_space<semaphore_mem>>) attributes {dimension_semantics = [#tpu.dimension_semantics<core_parallel>, #tpu.dimension_semantics<subcore_parallel>], iteration_bounds = array<i64: 2, 16>, scalar_prefetch = 0 : i64, scratch_operands = 5 : i64, tpu.core_type = #tpu.core_type<sc_vector_subcore>, window_params = [{transform_indices = #map}, {transform_indices = #map1}, {transform_indices = #map}]} {
    %mul3A = arith.constant 2 : i32
    %mul3A_0 = arith.muli %arg1, %mul3A : i32
    %add3A = arith.addi %mul3A_0, %arg0 : i32
    %mul3A_1 = arith.constant 192 : i32
    %mul3A_2 = arith.muli %add3A, %mul3A_1 : i32
    "tpu.region"() ({
      %run_scoped3A = tpu.sem_alloc : memref<!tpu.dma_semaphore, #tpu.memory_space<semaphore_mem>>
      %dma_start3A_19 = tpu.memref_slice %arg3[%mul3A_2] : memref<6144xi32, #tpu.memory_space<hbm>> -> memref<96xi32, #tpu.memory_space<hbm>>
      %dma_start3A_20 = tpu.memref_slice %arg3[%mul3A_2] : memref<6144xi32, #tpu.memory_space<hbm>> -> memref<96xi32, #tpu.memory_space<hbm>>
      tpu.enqueue_dma source(%dma_start3A_20 : memref<96xi32, #tpu.memory_space<hbm>>) target(%arg7 : memref<96xi32, #tpu.memory_space<vmem>>) target_semaphore(%run_scoped3A : memref<!tpu.dma_semaphore, #tpu.memory_space<semaphore_mem>>)
      %dma_wait3A_21 = tpu.memref_slice %arg3[%mul3A_2] : memref<6144xi32, #tpu.memory_space<hbm>> -> memref<96xi32, #tpu.memory_space<hbm>>
      %dma_wait3A_22 = tpu.memref_slice %arg3[%mul3A_2] : memref<6144xi32, #tpu.memory_space<hbm>> -> memref<96xi32, #tpu.memory_space<hbm>>
      tpu.wait_dma2 semaphore(%run_scoped3A : memref<!tpu.dma_semaphore, #tpu.memory_space<semaphore_mem>>) src(%dma_wait3A_22 : memref<96xi32, #tpu.memory_space<hbm>>) dst(%arg7 : memref<96xi32, #tpu.memory_space<vmem>>)
      tpu.yield
    }) : () -> ()
    %dma_start3A = arith.constant 0 : i32
    %dma_start3A_3 = arith.constant 0 : i32
    %dma_start3A_4 = tpu.memref_slice %arg2[%dma_start3A, %dma_start3A_3] : memref<9216x384xi32, #tpu.memory_space<hbm>> -> memref<9216x384xi32, #tpu.memory_space<hbm>>
    tpu.enqueue_indirect_dma source(%dma_start3A_4 : memref<9216x384xi32, #tpu.memory_space<hbm>>) target(%arg5 : memref<96x384xi32, #tpu.memory_space<vmem>>) offsets(%arg7 : memref<96xi32, #tpu.memory_space<vmem>>) semaphore(%arg9 : memref<!tpu.dma_semaphore, #tpu.memory_space<semaphore_mem>>)
    %add3A_5 = arith.constant 96 : i32
    %add3A_6 = arith.addi %mul3A_2, %add3A_5 : i32
    "tpu.region"() ({
      %run_scoped3A = tpu.sem_alloc : memref<!tpu.dma_semaphore, #tpu.memory_space<semaphore_mem>>
      %dma_start3A_19 = tpu.memref_slice %arg3[%add3A_6] : memref<6144xi32, #tpu.memory_space<hbm>> -> memref<96xi32, #tpu.memory_space<hbm>>
      %dma_start3A_20 = tpu.memref_slice %arg3[%add3A_6] : memref<6144xi32, #tpu.memory_space<hbm>> -> memref<96xi32, #tpu.memory_space<hbm>>
      tpu.enqueue_dma source(%dma_start3A_20 : memref<96xi32, #tpu.memory_space<hbm>>) target(%arg8 : memref<96xi32, #tpu.memory_space<vmem>>) target_semaphore(%run_scoped3A : memref<!tpu.dma_semaphore, #tpu.memory_space<semaphore_mem>>)
      %dma_wait3A_21 = tpu.memref_slice %arg3[%add3A_6] : memref<6144xi32, #tpu.memory_space<hbm>> -> memref<96xi32, #tpu.memory_space<hbm>>
      %dma_wait3A_22 = tpu.memref_slice %arg3[%add3A_6] : memref<6144xi32, #tpu.memory_space<hbm>> -> memref<96xi32, #tpu.memory_space<hbm>>
      tpu.wait_dma2 semaphore(%run_scoped3A : memref<!tpu.dma_semaphore, #tpu.memory_space<semaphore_mem>>) src(%dma_wait3A_22 : memref<96xi32, #tpu.memory_space<hbm>>) dst(%arg8 : memref<96xi32, #tpu.memory_space<vmem>>)
      tpu.yield
    }) : () -> ()
    %dma_start3A_7 = arith.constant 0 : i32
    %dma_start3A_8 = arith.constant 0 : i32
    %dma_start3A_9 = tpu.memref_slice %arg2[%dma_start3A_7, %dma_start3A_8] : memref<9216x384xi32, #tpu.memory_space<hbm>> -> memref<9216x384xi32, #tpu.memory_space<hbm>>
    tpu.enqueue_indirect_dma source(%dma_start3A_9 : memref<9216x384xi32, #tpu.memory_space<hbm>>) target(%arg6 : memref<96x384xi32, #tpu.memory_space<vmem>>) offsets(%arg8 : memref<96xi32, #tpu.memory_space<vmem>>) semaphore(%arg9 : memref<!tpu.dma_semaphore, #tpu.memory_space<semaphore_mem>>)
    %dma_wait3A = arith.constant 0 : i32
    %dma_wait3A_10 = arith.constant 0 : i32
    %dma_wait3A_11 = tpu.memref_slice %arg2[%dma_wait3A, %dma_wait3A_10] : memref<9216x384xi32, #tpu.memory_space<hbm>> -> memref<9216x384xi32, #tpu.memory_space<hbm>>
    tpu.wait_indirect_dma semaphore(%arg9 : memref<!tpu.dma_semaphore, #tpu.memory_space<semaphore_mem>>) src(%dma_wait3A_11 : memref<9216x384xi32, #tpu.memory_space<hbm>>) dst(%arg5 : memref<96x384xi32, #tpu.memory_space<vmem>>)
    %add3A_12 = arith.constant 0 : i32
    %add3A_13 = arith.addi %mul3A_2, %add3A_12 : i32
    "tpu.region"() ({
      %run_scoped3A = tpu.sem_alloc : memref<!tpu.dma_semaphore, #tpu.memory_space<semaphore_mem>>
      %dma_start3A_19 = arith.constant 0 : i32
      %dma_start3A_20 = tpu.memref_slice %arg4[%add3A_13, %dma_start3A_19] : memref<6144x384xi32, #tpu.memory_space<hbm>> -> memref<96x384xi32, #tpu.memory_space<hbm>>
      %dma_start3A_21 = arith.constant 0 : i32
      %dma_start3A_22 = tpu.memref_slice %arg4[%add3A_13, %dma_start3A_21] : memref<6144x384xi32, #tpu.memory_space<hbm>> -> memref<96x384xi32, #tpu.memory_space<hbm>>
      tpu.enqueue_dma source(%arg5 : memref<96x384xi32, #tpu.memory_space<vmem>>) target(%dma_start3A_22 : memref<96x384xi32, #tpu.memory_space<hbm>>) target_semaphore(%run_scoped3A : memref<!tpu.dma_semaphore, #tpu.memory_space<semaphore_mem>>)
      %dma_wait3A_23 = arith.constant 0 : i32
      %dma_wait3A_24 = tpu.memref_slice %arg4[%add3A_13, %dma_wait3A_23] : memref<6144x384xi32, #tpu.memory_space<hbm>> -> memref<96x384xi32, #tpu.memory_space<hbm>>
      %dma_wait3A_25 = arith.constant 0 : i32
      %dma_wait3A_26 = tpu.memref_slice %arg4[%add3A_13, %dma_wait3A_25] : memref<6144x384xi32, #tpu.memory_space<hbm>> -> memref<96x384xi32, #tpu.memory_space<hbm>>
      tpu.wait_dma2 semaphore(%run_scoped3A : memref<!tpu.dma_semaphore, #tpu.memory_space<semaphore_mem>>) src(%arg5 : memref<96x384xi32, #tpu.memory_space<vmem>>) dst(%dma_wait3A_26 : memref<96x384xi32, #tpu.memory_space<hbm>>)
      tpu.yield
    }) : () -> ()
    %dma_wait3A_14 = arith.constant 0 : i32
    %dma_wait3A_15 = arith.constant 0 : i32
    %dma_wait3A_16 = tpu.memref_slice %arg2[%dma_wait3A_14, %dma_wait3A_15] : memref<9216x384xi32, #tpu.memory_space<hbm>> -> memref<9216x384xi32, #tpu.memory_space<hbm>>
    tpu.wait_indirect_dma semaphore(%arg9 : memref<!tpu.dma_semaphore, #tpu.memory_space<semaphore_mem>>) src(%dma_wait3A_16 : memref<9216x384xi32, #tpu.memory_space<hbm>>) dst(%arg6 : memref<96x384xi32, #tpu.memory_space<vmem>>)
    %add3A_17 = arith.constant 96 : i32
    %add3A_18 = arith.addi %mul3A_2, %add3A_17 : i32
    "tpu.region"() ({
      %run_scoped3A = tpu.sem_alloc : memref<!tpu.dma_semaphore, #tpu.memory_space<semaphore_mem>>
      %dma_start3A_19 = arith.constant 0 : i32
      %dma_start3A_20 = tpu.memref_slice %arg4[%add3A_18, %dma_start3A_19] : memref<6144x384xi32, #tpu.memory_space<hbm>> -> memref<96x384xi32, #tpu.memory_space<hbm>>
      %dma_start3A_21 = arith.constant 0 : i32
      %dma_start3A_22 = tpu.memref_slice %arg4[%add3A_18, %dma_start3A_21] : memref<6144x384xi32, #tpu.memory_space<hbm>> -> memref<96x384xi32, #tpu.memory_space<hbm>>
      tpu.enqueue_dma source(%arg6 : memref<96x384xi32, #tpu.memory_space<vmem>>) target(%dma_start3A_22 : memref<96x384xi32, #tpu.memory_space<hbm>>) target_semaphore(%run_scoped3A : memref<!tpu.dma_semaphore, #tpu.memory_space<semaphore_mem>>)
      %dma_wait3A_23 = arith.constant 0 : i32
      %dma_wait3A_24 = tpu.memref_slice %arg4[%add3A_18, %dma_wait3A_23] : memref<6144x384xi32, #tpu.memory_space<hbm>> -> memref<96x384xi32, #tpu.memory_space<hbm>>
      %dma_wait3A_25 = arith.constant 0 : i32
      %dma_wait3A_26 = tpu.memref_slice %arg4[%add3A_18, %dma_wait3A_25] : memref<6144x384xi32, #tpu.memory_space<hbm>> -> memref<96x384xi32, #tpu.memory_space<hbm>>
      tpu.wait_dma2 semaphore(%run_scoped3A : memref<!tpu.dma_semaphore, #tpu.memory_space<semaphore_mem>>) src(%arg6 : memref<96x384xi32, #tpu.memory_space<vmem>>) dst(%dma_wait3A_26 : memref<96x384xi32, #tpu.memory_space<hbm>>)
      tpu.yield
    }) : () -> ()
    return
  }
}

module attributes {stable_mosaic.version = 14 : i64} {
  func.func @_gate_kernel(%arg0: memref<2048x768xf32, #tpu.memory_space<vmem>>, %arg1: memref<23x768xf32, #tpu.memory_space<vmem>>, %arg2: memref<1x23xf32, #tpu.memory_space<vmem>>, %arg3: memref<1x23xf32, #tpu.memory_space<vmem>>, %arg4: memref<2048x3xf32, #tpu.memory_space<vmem>>, %arg5: memref<2048x3xi32, #tpu.memory_space<vmem>>, %arg6: memref<1x72xi32, #tpu.memory_space<vmem>>, %arg7: memref<1x1xf32, #tpu.memory_space<vmem>>, %arg8: memref<2048x384xi32, #tpu.memory_space<vmem>>) attributes {dimension_semantics = [], scalar_prefetch = 0 : i64, scratch_operands = 0 : i64, tpu.core_type = #tpu.core_type<tc>} {
    %get3A = arith.constant 0 : index
    %get3A_0 = arith.constant 0 : index
    %get3A_1 = vector.load %arg0[%get3A, %get3A_0] : memref<2048x768xf32, #tpu.memory_space<vmem>>, vector<2048x768xf32>
    %get3A_2 = arith.constant 0 : index
    %get3A_3 = arith.constant 0 : index
    %get3A_4 = vector.load %arg1[%get3A_2, %get3A_3] : memref<23x768xf32, #tpu.memory_space<vmem>>, vector<23x768xf32>
    %dot_general3A = arith.constant dense<0.000000e+00> : vector<2048x23xf32>
    %dot_general3A_5 = tpu.matmul %get3A_1, %get3A_4, %dot_general3A {dimension_numbers = #tpu.dot_dimension_numbers<[1], [1], [0], [0], [0, 0, 1, 0], [], []>, transpose_lhs_hint = false} : vector<2048x768xf32>, vector<23x768xf32>, vector<2048x23xf32> -> vector<2048x23xf32>
    %get3A_6 = arith.constant 0 : index
    %get3A_7 = arith.constant 0 : index
    %get3A_8 = vector.load %arg2[%get3A_6, %get3A_7] : memref<1x23xf32, #tpu.memory_space<vmem>>, vector<1x23xf32>
    %add3A = vector.broadcast %get3A_8 : vector<1x23xf32> to vector<2048x23xf32>
    %add3A_9 = arith.addf %dot_general3A_5, %add3A : vector<2048x23xf32>
    %logistic3A = arith.negf %add3A_9 : vector<2048x23xf32>
    %logistic3A_10 = math.exp %logistic3A : vector<2048x23xf32>
    %logistic3A_11 = arith.constant 1.000000e+00 : f32
    %logistic3A_12 = vector.broadcast %logistic3A_11 : f32 to vector<2048x23xf32>
    %logistic3A_13 = arith.addf %logistic3A_12, %logistic3A_10 : vector<2048x23xf32>
    %logistic3A_14 = arith.divf %logistic3A_12, %logistic3A_13 : vector<2048x23xf32>
    %iota3A = tpu.iota {dimensions = array<i32: 1>} : vector<2048x23xi32>
    %get3A_15 = arith.constant 0 : index
    %get3A_16 = arith.constant 0 : index
    %get3A_17 = vector.load %arg3[%get3A_15, %get3A_16] : memref<1x23xf32, #tpu.memory_space<vmem>>, vector<1x23xf32>
    %add3A_18 = vector.broadcast %get3A_17 : vector<1x23xf32> to vector<2048x23xf32>
    %add3A_19 = arith.addf %logistic3A_14, %add3A_18 : vector<2048x23xf32>
    %reduce_max3A = arith.constant dense<0xFF800000> : vector<2048xf32>
    %reduce_max3A_20 = vector.multi_reduction <maximumf>, %add3A_19, %reduce_max3A [1] : vector<2048x23xf32> to vector<2048xf32>
    %broadcast_in_dim3A = vector.shape_cast %reduce_max3A_20 : vector<2048xf32> to vector<2048x1xf32>
    %eq3A = vector.broadcast %broadcast_in_dim3A : vector<2048x1xf32> to vector<2048x23xf32>
    %eq3A_21 = arith.cmpf oeq, %add3A_19, %eq3A : vector<2048x23xf32>
    %jit3A = arith.constant 23 : i32
    %broadcast_in_dim3A_22 = vector.broadcast %jit3A : i32 to vector<2048x23xi32>
    %select_n3A = arith.select %eq3A_21, %iota3A, %broadcast_in_dim3A_22 : vector<2048x23xi1>, vector<2048x23xi32>
    %reduce_min3A = arith.constant dense<2147483647> : vector<2048xi32>
    %reduce_min3A_23 = vector.multi_reduction <minsi>, %select_n3A, %reduce_min3A [1] : vector<2048x23xi32> to vector<2048xi32>
    %broadcast_in_dim3A_24 = vector.shape_cast %reduce_min3A_23 : vector<2048xi32> to vector<2048x1xi32>
    %eq3A_25 = vector.broadcast %broadcast_in_dim3A_24 : vector<2048x1xi32> to vector<2048x23xi32>
    %eq3A_26 = arith.cmpi eq, %iota3A, %eq3A_25 : vector<2048x23xi32>
    %jit3A_27 = arith.constant 0.000000e+00 : f32
    %broadcast_in_dim3A_28 = vector.broadcast %jit3A_27 : f32 to vector<2048x23xf32>
    %select_n3A_29 = arith.select %eq3A_26, %logistic3A_14, %broadcast_in_dim3A_28 : vector<2048x23xi1>, vector<2048x23xf32>
    %reduce_sum3A = arith.constant dense<0.000000e+00> : vector<2048xf32>
    %reduce_sum3A_30 = vector.multi_reduction <add>, %select_n3A_29, %reduce_sum3A [1] : vector<2048x23xf32> to vector<2048xf32>
    %broadcast_in_dim3A_31 = vector.shape_cast %reduce_sum3A_30 : vector<2048xf32> to vector<2048x1xf32>
    %jit3A_32 = arith.constant -1.000000e+30 : f32
    %broadcast_in_dim3A_33 = vector.broadcast %jit3A_32 : f32 to vector<2048x23xf32>
    %select_n3A_34 = arith.select %eq3A_26, %broadcast_in_dim3A_33, %add3A_19 : vector<2048x23xi1>, vector<2048x23xf32>
    %reduce_max3A_35 = arith.constant dense<0xFF800000> : vector<2048xf32>
    %reduce_max3A_36 = vector.multi_reduction <maximumf>, %select_n3A_34, %reduce_max3A_35 [1] : vector<2048x23xf32> to vector<2048xf32>
    %broadcast_in_dim3A_37 = vector.shape_cast %reduce_max3A_36 : vector<2048xf32> to vector<2048x1xf32>
    %eq3A_38 = vector.broadcast %broadcast_in_dim3A_37 : vector<2048x1xf32> to vector<2048x23xf32>
    %eq3A_39 = arith.cmpf oeq, %select_n3A_34, %eq3A_38 : vector<2048x23xf32>
    %jit3A_40 = arith.constant 23 : i32
    %broadcast_in_dim3A_41 = vector.broadcast %jit3A_40 : i32 to vector<2048x23xi32>
    %select_n3A_42 = arith.select %eq3A_39, %iota3A, %broadcast_in_dim3A_41 : vector<2048x23xi1>, vector<2048x23xi32>
    %reduce_min3A_43 = arith.constant dense<2147483647> : vector<2048xi32>
    %reduce_min3A_44 = vector.multi_reduction <minsi>, %select_n3A_42, %reduce_min3A_43 [1] : vector<2048x23xi32> to vector<2048xi32>
    %broadcast_in_dim3A_45 = vector.shape_cast %reduce_min3A_44 : vector<2048xi32> to vector<2048x1xi32>
    %eq3A_46 = vector.broadcast %broadcast_in_dim3A_45 : vector<2048x1xi32> to vector<2048x23xi32>
    %eq3A_47 = arith.cmpi eq, %iota3A, %eq3A_46 : vector<2048x23xi32>
    %jit3A_48 = arith.constant 0.000000e+00 : f32
    %broadcast_in_dim3A_49 = vector.broadcast %jit3A_48 : f32 to vector<2048x23xf32>
    %select_n3A_50 = arith.select %eq3A_47, %logistic3A_14, %broadcast_in_dim3A_49 : vector<2048x23xi1>, vector<2048x23xf32>
    %reduce_sum3A_51 = arith.constant dense<0.000000e+00> : vector<2048xf32>
    %reduce_sum3A_52 = vector.multi_reduction <add>, %select_n3A_50, %reduce_sum3A_51 [1] : vector<2048x23xf32> to vector<2048xf32>
    %broadcast_in_dim3A_53 = vector.shape_cast %reduce_sum3A_52 : vector<2048xf32> to vector<2048x1xf32>
    %jit3A_54 = arith.constant -1.000000e+30 : f32
    %broadcast_in_dim3A_55 = vector.broadcast %jit3A_54 : f32 to vector<2048x23xf32>
    %select_n3A_56 = arith.select %eq3A_47, %broadcast_in_dim3A_55, %select_n3A_34 : vector<2048x23xi1>, vector<2048x23xf32>
    %reduce_max3A_57 = arith.constant dense<0xFF800000> : vector<2048xf32>
    %reduce_max3A_58 = vector.multi_reduction <maximumf>, %select_n3A_56, %reduce_max3A_57 [1] : vector<2048x23xf32> to vector<2048xf32>
    %broadcast_in_dim3A_59 = vector.shape_cast %reduce_max3A_58 : vector<2048xf32> to vector<2048x1xf32>
    %eq3A_60 = vector.broadcast %broadcast_in_dim3A_59 : vector<2048x1xf32> to vector<2048x23xf32>
    %eq3A_61 = arith.cmpf oeq, %select_n3A_56, %eq3A_60 : vector<2048x23xf32>
    %jit3A_62 = arith.constant 23 : i32
    %broadcast_in_dim3A_63 = vector.broadcast %jit3A_62 : i32 to vector<2048x23xi32>
    %select_n3A_64 = arith.select %eq3A_61, %iota3A, %broadcast_in_dim3A_63 : vector<2048x23xi1>, vector<2048x23xi32>
    %reduce_min3A_65 = arith.constant dense<2147483647> : vector<2048xi32>
    %reduce_min3A_66 = vector.multi_reduction <minsi>, %select_n3A_64, %reduce_min3A_65 [1] : vector<2048x23xi32> to vector<2048xi32>
    %broadcast_in_dim3A_67 = vector.shape_cast %reduce_min3A_66 : vector<2048xi32> to vector<2048x1xi32>
    %eq3A_68 = vector.broadcast %broadcast_in_dim3A_67 : vector<2048x1xi32> to vector<2048x23xi32>
    %eq3A_69 = arith.cmpi eq, %iota3A, %eq3A_68 : vector<2048x23xi32>
    %jit3A_70 = arith.constant 0.000000e+00 : f32
    %broadcast_in_dim3A_71 = vector.broadcast %jit3A_70 : f32 to vector<2048x23xf32>
    %select_n3A_72 = arith.select %eq3A_69, %logistic3A_14, %broadcast_in_dim3A_71 : vector<2048x23xi1>, vector<2048x23xf32>
    %reduce_sum3A_73 = arith.constant dense<0.000000e+00> : vector<2048xf32>
    %reduce_sum3A_74 = vector.multi_reduction <add>, %select_n3A_72, %reduce_sum3A_73 [1] : vector<2048x23xf32> to vector<2048xf32>
    %broadcast_in_dim3A_75 = vector.shape_cast %reduce_sum3A_74 : vector<2048xf32> to vector<2048x1xf32>
    %add3A_76 = arith.addf %broadcast_in_dim3A_31, %broadcast_in_dim3A_53 : vector<2048x1xf32>
    %add3A_77 = arith.addf %add3A_76, %broadcast_in_dim3A_75 : vector<2048x1xf32>
    %convert_element_type3A = arith.extui %eq3A_26 : vector<2048x23xi1> to vector<2048x23xi32>
    %convert_element_type3A_78 = arith.sitofp %convert_element_type3A : vector<2048x23xi32> to vector<2048x23xf32>
    %convert_element_type3A_79 = arith.extui %eq3A_47 : vector<2048x23xi1> to vector<2048x23xi32>
    %convert_element_type3A_80 = arith.sitofp %convert_element_type3A_79 : vector<2048x23xi32> to vector<2048x23xf32>
    %add3A_81 = arith.addf %convert_element_type3A_78, %convert_element_type3A_80 : vector<2048x23xf32>
    %convert_element_type3A_82 = arith.extui %eq3A_69 : vector<2048x23xi1> to vector<2048x23xi32>
    %convert_element_type3A_83 = arith.sitofp %convert_element_type3A_82 : vector<2048x23xi32> to vector<2048x23xf32>
    %add3A_84 = arith.addf %add3A_81, %convert_element_type3A_83 : vector<2048x23xf32>
    %reduce_sum3A_85 = arith.constant dense<0.000000e+00> : vector<23xf32>
    %reduce_sum3A_86 = vector.multi_reduction <add>, %add3A_84, %reduce_sum3A_85 [0] : vector<2048x23xf32> to vector<23xf32>
    %broadcast_in_dim3A_87 = vector.shape_cast %reduce_sum3A_86 : vector<23xf32> to vector<1x23xf32>
    %iota3A_88 = tpu.iota {dimensions = array<i32: 0>} : vector<256x256xi32>
    %iota3A_89 = tpu.iota {dimensions = array<i32: 1>} : vector<256x256xi32>
    %gt3A = arith.cmpi sgt, %iota3A_88, %iota3A_89 : vector<256x256xi32>
    %convert_element_type3A_90 = arith.extui %gt3A : vector<256x256xi1> to vector<256x256xi32>
    %convert_element_type3A_91 = arith.sitofp %convert_element_type3A_90 : vector<256x256xi32> to vector<256x256xf32>
    %broadcast_in_dim3A_92 = arith.constant 0.000000e+00 : f32
    %broadcast_in_dim3A_93 = vector.broadcast %broadcast_in_dim3A_92 : f32 to vector<1x23xf32>
    %slice3A = vector.extract_strided_slice %add3A_84 {offsets = [0, 0], sizes = [256, 23], strides = [1, 1]} : vector<2048x23xf32> to vector<256x23xf32>
    %dot_general3A_94 = arith.constant dense<0.000000e+00> : vector<256x23xf32>
    %dot_general3A_95 = tpu.matmul %convert_element_type3A_91, %slice3A, %dot_general3A_94 {dimension_numbers = #tpu.dot_dimension_numbers<[1], [0], [0], [1], [0, 0, 1, 1], [], []>, transpose_lhs_hint = false} : vector<256x256xf32>, vector<256x23xf32>, vector<256x23xf32> -> vector<256x23xf32>
    %add3A_96 = vector.broadcast %broadcast_in_dim3A_93 : vector<1x23xf32> to vector<256x23xf32>
    %add3A_97 = arith.addf %dot_general3A_95, %add3A_96 : vector<256x23xf32>
    %reduce_sum3A_98 = arith.constant dense<0.000000e+00> : vector<23xf32>
    %reduce_sum3A_99 = vector.multi_reduction <add>, %slice3A, %reduce_sum3A_98 [0] : vector<256x23xf32> to vector<23xf32>
    %broadcast_in_dim3A_100 = vector.shape_cast %reduce_sum3A_99 : vector<23xf32> to vector<1x23xf32>
    %add3A_101 = arith.addf %broadcast_in_dim3A_93, %broadcast_in_dim3A_100 : vector<1x23xf32>
    %slice3A_102 = vector.extract_strided_slice %add3A_84 {offsets = [256, 0], sizes = [256, 23], strides = [1, 1]} : vector<2048x23xf32> to vector<256x23xf32>
    %dot_general3A_103 = arith.constant dense<0.000000e+00> : vector<256x23xf32>
    %dot_general3A_104 = tpu.matmul %convert_element_type3A_91, %slice3A_102, %dot_general3A_103 {dimension_numbers = #tpu.dot_dimension_numbers<[1], [0], [0], [1], [0, 0, 1, 1], [], []>, transpose_lhs_hint = false} : vector<256x256xf32>, vector<256x23xf32>, vector<256x23xf32> -> vector<256x23xf32>
    %add3A_105 = vector.broadcast %add3A_101 : vector<1x23xf32> to vector<256x23xf32>
    %add3A_106 = arith.addf %dot_general3A_104, %add3A_105 : vector<256x23xf32>
    %reduce_sum3A_107 = arith.constant dense<0.000000e+00> : vector<23xf32>
    %reduce_sum3A_108 = vector.multi_reduction <add>, %slice3A_102, %reduce_sum3A_107 [0] : vector<256x23xf32> to vector<23xf32>
    %broadcast_in_dim3A_109 = vector.shape_cast %reduce_sum3A_108 : vector<23xf32> to vector<1x23xf32>
    %add3A_110 = arith.addf %add3A_101, %broadcast_in_dim3A_109 : vector<1x23xf32>
    %slice3A_111 = vector.extract_strided_slice %add3A_84 {offsets = [512, 0], sizes = [256, 23], strides = [1, 1]} : vector<2048x23xf32> to vector<256x23xf32>
    %dot_general3A_112 = arith.constant dense<0.000000e+00> : vector<256x23xf32>
    %dot_general3A_113 = tpu.matmul %convert_element_type3A_91, %slice3A_111, %dot_general3A_112 {dimension_numbers = #tpu.dot_dimension_numbers<[1], [0], [0], [1], [0, 0, 1, 1], [], []>, transpose_lhs_hint = false} : vector<256x256xf32>, vector<256x23xf32>, vector<256x23xf32> -> vector<256x23xf32>
    %add3A_114 = vector.broadcast %add3A_110 : vector<1x23xf32> to vector<256x23xf32>
    %add3A_115 = arith.addf %dot_general3A_113, %add3A_114 : vector<256x23xf32>
    %reduce_sum3A_116 = arith.constant dense<0.000000e+00> : vector<23xf32>
    %reduce_sum3A_117 = vector.multi_reduction <add>, %slice3A_111, %reduce_sum3A_116 [0] : vector<256x23xf32> to vector<23xf32>
    %broadcast_in_dim3A_118 = vector.shape_cast %reduce_sum3A_117 : vector<23xf32> to vector<1x23xf32>
    %add3A_119 = arith.addf %add3A_110, %broadcast_in_dim3A_118 : vector<1x23xf32>
    %slice3A_120 = vector.extract_strided_slice %add3A_84 {offsets = [768, 0], sizes = [256, 23], strides = [1, 1]} : vector<2048x23xf32> to vector<256x23xf32>
    %dot_general3A_121 = arith.constant dense<0.000000e+00> : vector<256x23xf32>
    %dot_general3A_122 = tpu.matmul %convert_element_type3A_91, %slice3A_120, %dot_general3A_121 {dimension_numbers = #tpu.dot_dimension_numbers<[1], [0], [0], [1], [0, 0, 1, 1], [], []>, transpose_lhs_hint = false} : vector<256x256xf32>, vector<256x23xf32>, vector<256x23xf32> -> vector<256x23xf32>
    %add3A_123 = vector.broadcast %add3A_119 : vector<1x23xf32> to vector<256x23xf32>
    %add3A_124 = arith.addf %dot_general3A_122, %add3A_123 : vector<256x23xf32>
    %reduce_sum3A_125 = arith.constant dense<0.000000e+00> : vector<23xf32>
    %reduce_sum3A_126 = vector.multi_reduction <add>, %slice3A_120, %reduce_sum3A_125 [0] : vector<256x23xf32> to vector<23xf32>
    %broadcast_in_dim3A_127 = vector.shape_cast %reduce_sum3A_126 : vector<23xf32> to vector<1x23xf32>
    %add3A_128 = arith.addf %add3A_119, %broadcast_in_dim3A_127 : vector<1x23xf32>
    %slice3A_129 = vector.extract_strided_slice %add3A_84 {offsets = [1024, 0], sizes = [256, 23], strides = [1, 1]} : vector<2048x23xf32> to vector<256x23xf32>
    %dot_general3A_130 = arith.constant dense<0.000000e+00> : vector<256x23xf32>
    %dot_general3A_131 = tpu.matmul %convert_element_type3A_91, %slice3A_129, %dot_general3A_130 {dimension_numbers = #tpu.dot_dimension_numbers<[1], [0], [0], [1], [0, 0, 1, 1], [], []>, transpose_lhs_hint = false} : vector<256x256xf32>, vector<256x23xf32>, vector<256x23xf32> -> vector<256x23xf32>
    %add3A_132 = vector.broadcast %add3A_128 : vector<1x23xf32> to vector<256x23xf32>
    %add3A_133 = arith.addf %dot_general3A_131, %add3A_132 : vector<256x23xf32>
    %reduce_sum3A_134 = arith.constant dense<0.000000e+00> : vector<23xf32>
    %reduce_sum3A_135 = vector.multi_reduction <add>, %slice3A_129, %reduce_sum3A_134 [0] : vector<256x23xf32> to vector<23xf32>
    %broadcast_in_dim3A_136 = vector.shape_cast %reduce_sum3A_135 : vector<23xf32> to vector<1x23xf32>
    %add3A_137 = arith.addf %add3A_128, %broadcast_in_dim3A_136 : vector<1x23xf32>
    %slice3A_138 = vector.extract_strided_slice %add3A_84 {offsets = [1280, 0], sizes = [256, 23], strides = [1, 1]} : vector<2048x23xf32> to vector<256x23xf32>
    %dot_general3A_139 = arith.constant dense<0.000000e+00> : vector<256x23xf32>
    %dot_general3A_140 = tpu.matmul %convert_element_type3A_91, %slice3A_138, %dot_general3A_139 {dimension_numbers = #tpu.dot_dimension_numbers<[1], [0], [0], [1], [0, 0, 1, 1], [], []>, transpose_lhs_hint = false} : vector<256x256xf32>, vector<256x23xf32>, vector<256x23xf32> -> vector<256x23xf32>
    %add3A_141 = vector.broadcast %add3A_137 : vector<1x23xf32> to vector<256x23xf32>
    %add3A_142 = arith.addf %dot_general3A_140, %add3A_141 : vector<256x23xf32>
    %reduce_sum3A_143 = arith.constant dense<0.000000e+00> : vector<23xf32>
    %reduce_sum3A_144 = vector.multi_reduction <add>, %slice3A_138, %reduce_sum3A_143 [0] : vector<256x23xf32> to vector<23xf32>
    %broadcast_in_dim3A_145 = vector.shape_cast %reduce_sum3A_144 : vector<23xf32> to vector<1x23xf32>
    %add3A_146 = arith.addf %add3A_137, %broadcast_in_dim3A_145 : vector<1x23xf32>
    %slice3A_147 = vector.extract_strided_slice %add3A_84 {offsets = [1536, 0], sizes = [256, 23], strides = [1, 1]} : vector<2048x23xf32> to vector<256x23xf32>
    %dot_general3A_148 = arith.constant dense<0.000000e+00> : vector<256x23xf32>
    %dot_general3A_149 = tpu.matmul %convert_element_type3A_91, %slice3A_147, %dot_general3A_148 {dimension_numbers = #tpu.dot_dimension_numbers<[1], [0], [0], [1], [0, 0, 1, 1], [], []>, transpose_lhs_hint = false} : vector<256x256xf32>, vector<256x23xf32>, vector<256x23xf32> -> vector<256x23xf32>
    %add3A_150 = vector.broadcast %add3A_146 : vector<1x23xf32> to vector<256x23xf32>
    %add3A_151 = arith.addf %dot_general3A_149, %add3A_150 : vector<256x23xf32>
    %reduce_sum3A_152 = arith.constant dense<0.000000e+00> : vector<23xf32>
    %reduce_sum3A_153 = vector.multi_reduction <add>, %slice3A_147, %reduce_sum3A_152 [0] : vector<256x23xf32> to vector<23xf32>
    %broadcast_in_dim3A_154 = vector.shape_cast %reduce_sum3A_153 : vector<23xf32> to vector<1x23xf32>
    %add3A_155 = arith.addf %add3A_146, %broadcast_in_dim3A_154 : vector<1x23xf32>
    %slice3A_156 = vector.extract_strided_slice %add3A_84 {offsets = [1792, 0], sizes = [256, 23], strides = [1, 1]} : vector<2048x23xf32> to vector<256x23xf32>
    %dot_general3A_157 = arith.constant dense<0.000000e+00> : vector<256x23xf32>
    %dot_general3A_158 = tpu.matmul %convert_element_type3A_91, %slice3A_156, %dot_general3A_157 {dimension_numbers = #tpu.dot_dimension_numbers<[1], [0], [0], [1], [0, 0, 1, 1], [], []>, transpose_lhs_hint = false} : vector<256x256xf32>, vector<256x23xf32>, vector<256x23xf32> -> vector<256x23xf32>
    %add3A_159 = vector.broadcast %add3A_155 : vector<1x23xf32> to vector<256x23xf32>
    %add3A_160 = arith.addf %dot_general3A_158, %add3A_159 : vector<256x23xf32>
    %concatenate3A = tpu.concatenate %add3A_97, %add3A_106, %add3A_115, %add3A_124, %add3A_133, %add3A_142, %add3A_151, %add3A_160 in 0 : vector<256x23xf32>, vector<256x23xf32>, vector<256x23xf32>, vector<256x23xf32>, vector<256x23xf32>, vector<256x23xf32>, vector<256x23xf32>, vector<256x23xf32> -> vector<2048x23xf32>
    %add3A_161 = arith.constant 1.270000e+02 : f32
    %add3A_162 = vector.broadcast %add3A_161 : f32 to vector<1x23xf32>
    %add3A_163 = arith.addf %broadcast_in_dim3A_87, %add3A_162 : vector<1x23xf32>
    %div3A = arith.constant 1.280000e+02 : f32
    %div3A_164 = vector.broadcast %div3A : f32 to vector<1x23xf32>
    %div3A_165 = arith.divf %add3A_163, %div3A_164 : vector<1x23xf32>
    %floor3A = math.floor %div3A_165 : vector<1x23xf32>
    %iota3A_166 = tpu.iota {dimensions = array<i32: 0>} : vector<23x23xi32>
    %iota3A_167 = tpu.iota {dimensions = array<i32: 1>} : vector<23x23xi32>
    %lt3A = arith.cmpi slt, %iota3A_166, %iota3A_167 : vector<23x23xi32>
    %convert_element_type3A_168 = arith.extui %lt3A : vector<23x23xi1> to vector<23x23xi32>
    %convert_element_type3A_169 = arith.sitofp %convert_element_type3A_168 : vector<23x23xi32> to vector<23x23xf32>
    %dot_general3A_170 = arith.constant dense<0.000000e+00> : vector<1x23xf32>
    %dot_general3A_171 = tpu.matmul %floor3A, %convert_element_type3A_169, %dot_general3A_170 {dimension_numbers = #tpu.dot_dimension_numbers<[1], [0], [0], [1], [0, 0, 1, 1], [], []>, transpose_lhs_hint = false} : vector<1x23xf32>, vector<23x23xf32>, vector<1x23xf32> -> vector<1x23xf32>
    %mul3A = arith.constant 1.280000e+02 : f32
    %mul3A_172 = vector.broadcast %mul3A : f32 to vector<1x23xf32>
    %mul3A_173 = arith.mulf %mul3A_172, %dot_general3A_171 : vector<1x23xf32>
    %add3A_174 = vector.broadcast %mul3A_173 : vector<1x23xf32> to vector<2048x23xf32>
    %add3A_175 = arith.addf %concatenate3A, %add3A_174 : vector<2048x23xf32>
    %iota3A_176 = tpu.iota {dimensions = array<i32: 1>} : vector<2048x3xi32>
    %broadcast_in_dim3A_177 = arith.constant 0.000000e+00 : f32
    %broadcast_in_dim3A_178 = vector.broadcast %broadcast_in_dim3A_177 : f32 to vector<2048x3xf32>
    %broadcast_in_dim3A_179 = arith.constant 0.000000e+00 : f32
    %broadcast_in_dim3A_180 = vector.broadcast %broadcast_in_dim3A_179 : f32 to vector<2048x3xf32>
    %jit3A_181 = arith.constant 0.000000e+00 : f32
    %broadcast_in_dim3A_182 = vector.broadcast %jit3A_181 : f32 to vector<2048x23xf32>
    %select_n3A_183 = arith.select %eq3A_26, %add3A_175, %broadcast_in_dim3A_182 : vector<2048x23xi1>, vector<2048x23xf32>
    %reduce_sum3A_184 = arith.constant dense<0.000000e+00> : vector<2048xf32>
    %reduce_sum3A_185 = vector.multi_reduction <add>, %select_n3A_183, %reduce_sum3A_184 [1] : vector<2048x23xf32> to vector<2048xf32>
    %broadcast_in_dim3A_186 = vector.shape_cast %reduce_sum3A_185 : vector<2048xf32> to vector<2048x1xf32>
    %eq3A_187 = arith.constant 0 : i32
    %eq3A_188 = vector.broadcast %eq3A_187 : i32 to vector<2048x3xi32>
    %eq3A_189 = arith.cmpi eq, %iota3A_176, %eq3A_188 : vector<2048x3xi32>
    %div3A_190 = arith.divf %broadcast_in_dim3A_31, %add3A_77 : vector<2048x1xf32>
    %jit3A_191 = arith.constant 0.000000e+00 : f32
    %broadcast_in_dim3A_192 = vector.shape_cast %div3A_190 : vector<2048x1xf32> to vector<2048x1xf32>
    %broadcast_in_dim3A_193 = vector.broadcast %broadcast_in_dim3A_192 : vector<2048x1xf32> to vector<2048x3xf32>
    %broadcast_in_dim3A_194 = vector.broadcast %jit3A_191 : f32 to vector<2048x3xf32>
    %select_n3A_195 = arith.select %eq3A_189, %broadcast_in_dim3A_193, %broadcast_in_dim3A_194 : vector<2048x3xi1>, vector<2048x3xf32>
    %add3A_196 = arith.addf %broadcast_in_dim3A_178, %select_n3A_195 : vector<2048x3xf32>
    %eq3A_197 = arith.constant 0 : i32
    %eq3A_198 = vector.broadcast %eq3A_197 : i32 to vector<2048x3xi32>
    %eq3A_199 = arith.cmpi eq, %iota3A_176, %eq3A_198 : vector<2048x3xi32>
    %jit3A_200 = arith.constant 0.000000e+00 : f32
    %broadcast_in_dim3A_201 = vector.shape_cast %broadcast_in_dim3A_186 : vector<2048x1xf32> to vector<2048x1xf32>
    %broadcast_in_dim3A_202 = vector.broadcast %broadcast_in_dim3A_201 : vector<2048x1xf32> to vector<2048x3xf32>
    %broadcast_in_dim3A_203 = vector.broadcast %jit3A_200 : f32 to vector<2048x3xf32>
    %select_n3A_204 = arith.select %eq3A_199, %broadcast_in_dim3A_202, %broadcast_in_dim3A_203 : vector<2048x3xi1>, vector<2048x3xf32>
    %add3A_205 = arith.addf %broadcast_in_dim3A_180, %select_n3A_204 : vector<2048x3xf32>
    %jit3A_206 = arith.constant 0.000000e+00 : f32
    %broadcast_in_dim3A_207 = vector.broadcast %jit3A_206 : f32 to vector<2048x23xf32>
    %select_n3A_208 = arith.select %eq3A_47, %add3A_175, %broadcast_in_dim3A_207 : vector<2048x23xi1>, vector<2048x23xf32>
    %reduce_sum3A_209 = arith.constant dense<0.000000e+00> : vector<2048xf32>
    %reduce_sum3A_210 = vector.multi_reduction <add>, %select_n3A_208, %reduce_sum3A_209 [1] : vector<2048x23xf32> to vector<2048xf32>
    %broadcast_in_dim3A_211 = vector.shape_cast %reduce_sum3A_210 : vector<2048xf32> to vector<2048x1xf32>
    %eq3A_212 = arith.constant 1 : i32
    %eq3A_213 = vector.broadcast %eq3A_212 : i32 to vector<2048x3xi32>
    %eq3A_214 = arith.cmpi eq, %iota3A_176, %eq3A_213 : vector<2048x3xi32>
    %div3A_215 = arith.divf %broadcast_in_dim3A_53, %add3A_77 : vector<2048x1xf32>
    %jit3A_216 = arith.constant 0.000000e+00 : f32
    %broadcast_in_dim3A_217 = vector.shape_cast %div3A_215 : vector<2048x1xf32> to vector<2048x1xf32>
    %broadcast_in_dim3A_218 = vector.broadcast %broadcast_in_dim3A_217 : vector<2048x1xf32> to vector<2048x3xf32>
    %broadcast_in_dim3A_219 = vector.broadcast %jit3A_216 : f32 to vector<2048x3xf32>
    %select_n3A_220 = arith.select %eq3A_214, %broadcast_in_dim3A_218, %broadcast_in_dim3A_219 : vector<2048x3xi1>, vector<2048x3xf32>
    %add3A_221 = arith.addf %add3A_196, %select_n3A_220 : vector<2048x3xf32>
    %eq3A_222 = arith.constant 1 : i32
    %eq3A_223 = vector.broadcast %eq3A_222 : i32 to vector<2048x3xi32>
    %eq3A_224 = arith.cmpi eq, %iota3A_176, %eq3A_223 : vector<2048x3xi32>
    %jit3A_225 = arith.constant 0.000000e+00 : f32
    %broadcast_in_dim3A_226 = vector.shape_cast %broadcast_in_dim3A_211 : vector<2048x1xf32> to vector<2048x1xf32>
    %broadcast_in_dim3A_227 = vector.broadcast %broadcast_in_dim3A_226 : vector<2048x1xf32> to vector<2048x3xf32>
    %broadcast_in_dim3A_228 = vector.broadcast %jit3A_225 : f32 to vector<2048x3xf32>
    %select_n3A_229 = arith.select %eq3A_224, %broadcast_in_dim3A_227, %broadcast_in_dim3A_228 : vector<2048x3xi1>, vector<2048x3xf32>
    %add3A_230 = arith.addf %add3A_205, %select_n3A_229 : vector<2048x3xf32>
    %jit3A_231 = arith.constant 0.000000e+00 : f32
    %broadcast_in_dim3A_232 = vector.broadcast %jit3A_231 : f32 to vector<2048x23xf32>
    %select_n3A_233 = arith.select %eq3A_69, %add3A_175, %broadcast_in_dim3A_232 : vector<2048x23xi1>, vector<2048x23xf32>
    %reduce_sum3A_234 = arith.constant dense<0.000000e+00> : vector<2048xf32>
    %reduce_sum3A_235 = vector.multi_reduction <add>, %select_n3A_233, %reduce_sum3A_234 [1] : vector<2048x23xf32> to vector<2048xf32>
    %broadcast_in_dim3A_236 = vector.shape_cast %reduce_sum3A_235 : vector<2048xf32> to vector<2048x1xf32>
    %eq3A_237 = arith.constant 2 : i32
    %eq3A_238 = vector.broadcast %eq3A_237 : i32 to vector<2048x3xi32>
    %eq3A_239 = arith.cmpi eq, %iota3A_176, %eq3A_238 : vector<2048x3xi32>
    %div3A_240 = arith.divf %broadcast_in_dim3A_75, %add3A_77 : vector<2048x1xf32>
    %jit3A_241 = arith.constant 0.000000e+00 : f32
    %broadcast_in_dim3A_242 = vector.shape_cast %div3A_240 : vector<2048x1xf32> to vector<2048x1xf32>
    %broadcast_in_dim3A_243 = vector.broadcast %broadcast_in_dim3A_242 : vector<2048x1xf32> to vector<2048x3xf32>
    %broadcast_in_dim3A_244 = vector.broadcast %jit3A_241 : f32 to vector<2048x3xf32>
    %select_n3A_245 = arith.select %eq3A_239, %broadcast_in_dim3A_243, %broadcast_in_dim3A_244 : vector<2048x3xi1>, vector<2048x3xf32>
    %add3A_246 = arith.addf %add3A_221, %select_n3A_245 : vector<2048x3xf32>
    %eq3A_247 = arith.constant 2 : i32
    %eq3A_248 = vector.broadcast %eq3A_247 : i32 to vector<2048x3xi32>
    %eq3A_249 = arith.cmpi eq, %iota3A_176, %eq3A_248 : vector<2048x3xi32>
    %jit3A_250 = arith.constant 0.000000e+00 : f32
    %broadcast_in_dim3A_251 = vector.shape_cast %broadcast_in_dim3A_236 : vector<2048x1xf32> to vector<2048x1xf32>
    %broadcast_in_dim3A_252 = vector.broadcast %broadcast_in_dim3A_251 : vector<2048x1xf32> to vector<2048x3xf32>
    %broadcast_in_dim3A_253 = vector.broadcast %jit3A_250 : f32 to vector<2048x3xf32>
    %select_n3A_254 = arith.select %eq3A_249, %broadcast_in_dim3A_252, %broadcast_in_dim3A_253 : vector<2048x3xi1>, vector<2048x3xf32>
    %add3A_255 = arith.addf %add3A_230, %select_n3A_254 : vector<2048x3xf32>
    %swap3A = arith.constant 0 : index
    %swap3A_256 = arith.constant 0 : index
    %swap3A_257 = vector.load %arg4[%swap3A, %swap3A_256] : memref<2048x3xf32, #tpu.memory_space<vmem>>, vector<2048x3xf32>
    tpu.vector_store %arg4[%swap3A, %swap3A_256], %add3A_246 {strides = array<i32>} : memref<2048x3xf32, #tpu.memory_space<vmem>>, vector<2048x3xf32>,
    %convert_element_type3A_258 = arith.fptosi %add3A_255 : vector<2048x3xf32> to vector<2048x3xi32>
    %swap3A_259 = arith.constant 0 : index
    %swap3A_260 = arith.constant 0 : index
    %swap3A_261 = vector.load %arg5[%swap3A_259, %swap3A_260] : memref<2048x3xi32, #tpu.memory_space<vmem>>, vector<2048x3xi32>
    tpu.vector_store %arg5[%swap3A_259, %swap3A_260], %convert_element_type3A_258 {strides = array<i32>} : memref<2048x3xi32, #tpu.memory_space<vmem>>, vector<2048x3xi32>,
    %div3A_262 = arith.constant 1.280000e+02 : f32
    %div3A_263 = vector.broadcast %div3A_262 : f32 to vector<1x23xf32>
    %div3A_264 = arith.divf %mul3A_173, %div3A_263 : vector<1x23xf32>
    %convert_element_type3A_265 = arith.fptosi %div3A_264 : vector<1x23xf32> to vector<1x23xi32>
    %iota3A_266 = tpu.iota {dimensions = array<i32: 1>} : vector<23x72xi32>
    %reshape3A = vector.shape_cast %convert_element_type3A_265 : vector<1x23xi32> to vector<23x1xi32>
    %broadcast_in_dim3A_267 = vector.shape_cast %reshape3A : vector<23x1xi32> to vector<23x1xi32>
    %broadcast_in_dim3A_268 = vector.broadcast %broadcast_in_dim3A_267 : vector<23x1xi32> to vector<23x72xi32>
    %le3A = arith.cmpi sle, %broadcast_in_dim3A_268, %iota3A_266 : vector<23x72xi32>
    %convert_element_type3A_269 = arith.extui %le3A : vector<23x72xi1> to vector<23x72xi32>
    %convert_element_type3A_270 = arith.sitofp %convert_element_type3A_269 : vector<23x72xi32> to vector<23x72xf32>
    %reduce_sum3A_271 = arith.constant dense<0.000000e+00> : vector<72xf32>
    %reduce_sum3A_272 = vector.multi_reduction <add>, %convert_element_type3A_270, %reduce_sum3A_271 [0] : vector<23x72xf32> to vector<72xf32>
    %broadcast_in_dim3A_273 = vector.shape_cast %reduce_sum3A_272 : vector<72xf32> to vector<1x72xf32>
    %sub3A = arith.constant 1.000000e+00 : f32
    %sub3A_274 = vector.broadcast %sub3A : f32 to vector<1x72xf32>
    %sub3A_275 = arith.subf %broadcast_in_dim3A_273, %sub3A_274 : vector<1x72xf32>
    %convert_element_type3A_276 = arith.fptosi %sub3A_275 : vector<1x72xf32> to vector<1x72xi32>
    %swap3A_277 = arith.constant 0 : index
    %swap3A_278 = arith.constant 0 : index
    %swap3A_279 = vector.load %arg6[%swap3A_277, %swap3A_278] : memref<1x72xi32, #tpu.memory_space<vmem>>, vector<1x72xi32>
    tpu.vector_store %arg6[%swap3A_277, %swap3A_278], %convert_element_type3A_276 {strides = array<i32>} : memref<1x72xi32, #tpu.memory_space<vmem>>, vector<1x72xi32>,
    %reduce_sum3A_280 = arith.constant dense<0.000000e+00> : vector<2048xf32>
    %reduce_sum3A_281 = vector.multi_reduction <add>, %logistic3A_14, %reduce_sum3A_280 [1] : vector<2048x23xf32> to vector<2048xf32>
    %broadcast_in_dim3A_282 = vector.shape_cast %reduce_sum3A_281 : vector<2048xf32> to vector<2048x1xf32>
    %div3A_283 = vector.broadcast %broadcast_in_dim3A_282 : vector<2048x1xf32> to vector<2048x23xf32>
    %div3A_284 = arith.divf %logistic3A_14, %div3A_283 : vector<2048x23xf32>
    %reduce_sum3A_285 = arith.constant dense<0.000000e+00> : vector<23xf32>
    %reduce_sum3A_286 = vector.multi_reduction <add>, %div3A_284, %reduce_sum3A_285 [0] : vector<2048x23xf32> to vector<23xf32>
    %broadcast_in_dim3A_287 = vector.shape_cast %reduce_sum3A_286 : vector<23xf32> to vector<1x23xf32>
    %div3A_288 = arith.constant 2.048000e+03 : f32
    %div3A_289 = vector.broadcast %div3A_288 : f32 to vector<1x23xf32>
    %div3A_290 = arith.divf %broadcast_in_dim3A_287, %div3A_289 : vector<1x23xf32>
    %mul3A_291 = arith.constant 2.300000e+01 : f32
    %mul3A_292 = vector.broadcast %mul3A_291 : f32 to vector<1x23xf32>
    %mul3A_293 = arith.mulf %mul3A_292, %broadcast_in_dim3A_87 : vector<1x23xf32>
    %div3A_294 = arith.constant 6.144000e+03 : f32
    %div3A_295 = vector.broadcast %div3A_294 : f32 to vector<1x23xf32>
    %div3A_296 = arith.divf %mul3A_293, %div3A_295 : vector<1x23xf32>
    %mul3A_297 = arith.mulf %div3A_290, %div3A_296 : vector<1x23xf32>
    %reduce_sum3A_298 = vector.shape_cast %mul3A_297 : vector<1x23xf32> to vector<1x1x23xf32>
    %reduce_sum3A_299 = arith.constant dense<0.000000e+00> : vector<1xf32>
    %reduce_sum3A_300 = vector.multi_reduction <add>, %reduce_sum3A_298, %reduce_sum3A_299 [1, 2] : vector<1x1x23xf32> to vector<1xf32>
    %reduce_sum3A_301 = vector.shape_cast %reduce_sum3A_300 : vector<1xf32> to vector<1x1x1xf32>
    %reduce_sum3A_302 = vector.extract %reduce_sum3A_301[0, 0, 0] : f32 from vector<1x1x1xf32>
    %broadcast_in_dim3A_303 = vector.broadcast %reduce_sum3A_302 : f32 to vector<1x1xf32>
    %swap3A_304 = arith.constant 0 : index
    %swap3A_305 = arith.constant 0 : index
    %swap3A_306 = vector.load %arg7[%swap3A_304, %swap3A_305] : memref<1x1xf32, #tpu.memory_space<vmem>>, vector<1x1xf32>
    tpu.vector_store %arg7[%swap3A_304, %swap3A_305], %broadcast_in_dim3A_303 {strides = array<i32>} : memref<1x1xf32, #tpu.memory_space<vmem>>, vector<1x1xf32>,
    %slice3A_307 = vector.extract_strided_slice %get3A_1 {offsets = [0, 0], sizes = [2048, 384], strides = [1, 1]} : vector<2048x768xf32> to vector<2048x384xf32>
    %convert_element_type3A_308 = arith.truncf %slice3A_307 : vector<2048x384xf32> to vector<2048x384xbf16>
    %convert_element_type3A_309 = arith.extf %convert_element_type3A_308 : vector<2048x384xbf16> to vector<2048x384xf32>
    %bitcast_convert_type3A = tpu.bitcast %convert_element_type3A_309 : vector<2048x384xf32> -> vector<2048x384xi32>
    %slice3A_310 = vector.extract_strided_slice %get3A_1 {offsets = [0, 384], sizes = [2048, 384], strides = [1, 1]} : vector<2048x768xf32> to vector<2048x384xf32>
    %convert_element_type3A_311 = arith.truncf %slice3A_310 : vector<2048x384xf32> to vector<2048x384xbf16>
    %convert_element_type3A_312 = arith.extf %convert_element_type3A_311 : vector<2048x384xbf16> to vector<2048x384xf32>
    %bitcast_convert_type3A_313 = tpu.bitcast %convert_element_type3A_312 : vector<2048x384xf32> -> vector<2048x384xi32>
    %shift_right_logical3A = arith.constant 16 : i32
    %shift_right_logical3A_314 = vector.broadcast %shift_right_logical3A : i32 to vector<2048x384xi32>
    %shift_right_logical3A_315 = arith.shrui %bitcast_convert_type3A, %shift_right_logical3A_314 : vector<2048x384xi32>
    %or3A = arith.ori %bitcast_convert_type3A_313, %shift_right_logical3A_315 : vector<2048x384xi32>
    %swap3A_316 = arith.constant 0 : index
    %swap3A_317 = arith.constant 0 : index
    %swap3A_318 = vector.load %arg8[%swap3A_316, %swap3A_317] : memref<2048x384xi32, #tpu.memory_space<vmem>>, vector<2048x384xi32>
    tpu.vector_store %arg8[%swap3A_316, %swap3A_317], %or3A {strides = array<i32>} : memref<2048x384xi32, #tpu.memory_space<vmem>>, vector<2048x384xi32>,
    return
  }
}

module attributes {stable_mosaic.version = 14 : i64} {
  func.func @_ffn_kernel(%arg0: i32, %arg1: memref<72xi32, #tpu.memory_space<smem>>, %arg2: memref<128x384xi32, #tpu.memory_space<vmem>>, %arg3: memref<1x384x768xf32, #tpu.memory_space<vmem>>, %arg4: memref<1x1x384xf32, #tpu.memory_space<vmem>>, %arg5: memref<1x768x384xf32, #tpu.memory_space<vmem>>, %arg6: memref<1x1x768xf32, #tpu.memory_space<vmem>>, %arg7: memref<128x384xi32, #tpu.memory_space<vmem>>) attributes {dimension_semantics = [#tpu.dimension_semantics<arbitrary>], iteration_bounds = array<i64: 72>, scalar_prefetch = 1 : i64, scratch_operands = 0 : i64, tpu.core_type = #tpu.core_type<tc>, window_params = [{transform_indices = @transform_0, window_bounds = array<i64: 128, 384>}, {transform_indices = @transform_1, window_bounds = array<i64: 1, 384, 768>}, {transform_indices = @transform_2, window_bounds = array<i64: 1, 1, 384>}, {transform_indices = @transform_3, window_bounds = array<i64: 1, 768, 384>}, {transform_indices = @transform_4, window_bounds = array<i64: 1, 1, 768>}, {transform_indices = @transform_5, window_bounds = array<i64: 128, 384>}]} {
    %get3A = arith.constant 0 : index
    %get3A_0 = arith.constant 0 : index
    %get3A_1 = vector.load %arg2[%get3A, %get3A_0] : memref<128x384xi32, #tpu.memory_space<vmem>>, vector<128x384xi32>
    %shift_left3A = arith.constant 16 : i32
    %shift_left3A_2 = vector.broadcast %shift_left3A : i32 to vector<128x384xi32>
    %shift_left3A_3 = arith.shli %get3A_1, %shift_left3A_2 : vector<128x384xi32>
    %bitcast_convert_type3A = tpu.bitcast %shift_left3A_3 : vector<128x384xi32> -> vector<128x384xf32>
    %and3A = arith.constant -65536 : i32
    %and3A_4 = vector.broadcast %and3A : i32 to vector<128x384xi32>
    %and3A_5 = arith.andi %get3A_1, %and3A_4 : vector<128x384xi32>
    %bitcast_convert_type3A_6 = tpu.bitcast %and3A_5 : vector<128x384xi32> -> vector<128x384xf32>
    %concatenate3A = tpu.concatenate %bitcast_convert_type3A, %bitcast_convert_type3A_6 in 1 : vector<128x384xf32>, vector<128x384xf32> -> vector<128x768xf32>
    %convert_element_type3A = arith.truncf %concatenate3A : vector<128x768xf32> to vector<128x768xbf16>
    %get3A_7 = arith.constant 0 : index
    %get3A_8 = arith.constant 0 : index
    %get3A_9 = arith.constant 0 : index
    %get3A_10 = vector.load %arg3[%get3A_7, %get3A_8, %get3A_9] : memref<1x384x768xf32, #tpu.memory_space<vmem>>, vector<1x384x768xf32>
    %squeeze3A = vector.shape_cast %get3A_10 : vector<1x384x768xf32> to vector<384x768xf32>
    %convert_element_type3A_11 = arith.truncf %squeeze3A : vector<384x768xf32> to vector<384x768xbf16>
    %dot_general3A = arith.constant dense<0.000000e+00> : vector<128x384xf32>
    %dot_general3A_12 = tpu.matmul %convert_element_type3A, %convert_element_type3A_11, %dot_general3A {dimension_numbers = #tpu.dot_dimension_numbers<[1], [1], [0], [0], [0, 0, 1, 0], [], []>, transpose_lhs_hint = false} : vector<128x768xbf16>, vector<384x768xbf16>, vector<128x384xf32> -> vector<128x384xf32>
    %get3A_13 = arith.constant 0 : index
    %get3A_14 = arith.constant 0 : index
    %get3A_15 = arith.constant 0 : index
    %get3A_16 = vector.load %arg4[%get3A_13, %get3A_14, %get3A_15] : memref<1x1x384xf32, #tpu.memory_space<vmem>>, vector<1x1x384xf32>
    %squeeze3A_17 = vector.shape_cast %get3A_16 : vector<1x1x384xf32> to vector<1x384xf32>
    %add3A = vector.broadcast %squeeze3A_17 : vector<1x384xf32> to vector<128x384xf32>
    %add3A_18 = arith.addf %dot_general3A_12, %add3A : vector<128x384xf32>
    %mul3A = arith.constant 5.000000e-01 : f32
    %mul3A_19 = vector.broadcast %mul3A : f32 to vector<128x384xf32>
    %mul3A_20 = arith.mulf %mul3A_19, %add3A_18 : vector<128x384xf32>
    %mul3A_21 = arith.constant 0.707106769 : f32
    %mul3A_22 = vector.broadcast %mul3A_21 : f32 to vector<128x384xf32>
    %mul3A_23 = arith.mulf %add3A_18, %mul3A_22 : vector<128x384xf32>
    %erf3A = math.erf %mul3A_23 : vector<128x384xf32>
    %add3A_24 = arith.constant 1.000000e+00 : f32
    %add3A_25 = vector.broadcast %add3A_24 : f32 to vector<128x384xf32>
    %add3A_26 = arith.addf %add3A_25, %erf3A : vector<128x384xf32>
    %mul3A_27 = arith.mulf %mul3A_20, %add3A_26 : vector<128x384xf32>
    %convert_element_type3A_28 = arith.truncf %mul3A_27 : vector<128x384xf32> to vector<128x384xbf16>
    %get3A_29 = arith.constant 0 : index
    %get3A_30 = arith.constant 0 : index
    %get3A_31 = arith.constant 0 : index
    %get3A_32 = vector.load %arg5[%get3A_29, %get3A_30, %get3A_31] : memref<1x768x384xf32, #tpu.memory_space<vmem>>, vector<1x768x384xf32>
    %squeeze3A_33 = vector.shape_cast %get3A_32 : vector<1x768x384xf32> to vector<768x384xf32>
    %convert_element_type3A_34 = arith.truncf %squeeze3A_33 : vector<768x384xf32> to vector<768x384xbf16>
    %dot_general3A_35 = arith.constant dense<0.000000e+00> : vector<128x768xf32>
    %dot_general3A_36 = tpu.matmul %convert_element_type3A_28, %convert_element_type3A_34, %dot_general3A_35 {dimension_numbers = #tpu.dot_dimension_numbers<[1], [1], [0], [0], [0, 0, 1, 0], [], []>, transpose_lhs_hint = false} : vector<128x384xbf16>, vector<768x384xbf16>, vector<128x768xf32> -> vector<128x768xf32>
    %get3A_37 = arith.constant 0 : index
    %get3A_38 = arith.constant 0 : index
    %get3A_39 = arith.constant 0 : index
    %get3A_40 = vector.load %arg6[%get3A_37, %get3A_38, %get3A_39] : memref<1x1x768xf32, #tpu.memory_space<vmem>>, vector<1x1x768xf32>
    %squeeze3A_41 = vector.shape_cast %get3A_40 : vector<1x1x768xf32> to vector<1x768xf32>
    %add3A_42 = vector.broadcast %squeeze3A_41 : vector<1x768xf32> to vector<128x768xf32>
    %add3A_43 = arith.addf %dot_general3A_36, %add3A_42 : vector<128x768xf32>
    %slice3A = vector.extract_strided_slice %add3A_43 {offsets = [0, 0], sizes = [128, 384], strides = [1, 1]} : vector<128x768xf32> to vector<128x384xf32>
    %convert_element_type3A_44 = arith.truncf %slice3A : vector<128x384xf32> to vector<128x384xbf16>
    %convert_element_type3A_45 = arith.extf %convert_element_type3A_44 : vector<128x384xbf16> to vector<128x384xf32>
    %bitcast_convert_type3A_46 = tpu.bitcast %convert_element_type3A_45 : vector<128x384xf32> -> vector<128x384xi32>
    %slice3A_47 = vector.extract_strided_slice %add3A_43 {offsets = [0, 384], sizes = [128, 384], strides = [1, 1]} : vector<128x768xf32> to vector<128x384xf32>
    %convert_element_type3A_48 = arith.truncf %slice3A_47 : vector<128x384xf32> to vector<128x384xbf16>
    %convert_element_type3A_49 = arith.extf %convert_element_type3A_48 : vector<128x384xbf16> to vector<128x384xf32>
    %bitcast_convert_type3A_50 = tpu.bitcast %convert_element_type3A_49 : vector<128x384xf32> -> vector<128x384xi32>
    %shift_right_logical3A = arith.constant 16 : i32
    %shift_right_logical3A_51 = vector.broadcast %shift_right_logical3A : i32 to vector<128x384xi32>
    %shift_right_logical3A_52 = arith.shrui %bitcast_convert_type3A_46, %shift_right_logical3A_51 : vector<128x384xi32>
    %or3A = arith.ori %bitcast_convert_type3A_50, %shift_right_logical3A_52 : vector<128x384xi32>
    %swap3A = arith.constant 0 : index
    %swap3A_53 = arith.constant 0 : index
    %swap3A_54 = vector.load %arg7[%swap3A, %swap3A_53] : memref<128x384xi32, #tpu.memory_space<vmem>>, vector<128x384xi32>
    tpu.vector_store %arg7[%swap3A, %swap3A_53], %or3A {strides = array<i32>} : memref<128x384xi32, #tpu.memory_space<vmem>>, vector<128x384xi32>,
    return
  }
  func.func @transform_0(%arg0: i32, %arg1: memref<72xi32, #tpu.memory_space<smem>>) -> (i32, i32) {
    %c0_i32 = arith.constant 0 : i32
    %c0_i32_0 = arith.constant 0 : i32
    return %arg0, %c0_i32 : i32, i32
  }
  func.func @transform_1(%arg0: i32, %arg1: memref<72xi32, #tpu.memory_space<smem>>) -> (i32, i32, i32) {
    %get3A = arith.index_cast %arg0 : i32 to index
    %get3A_0 = memref.load %arg1[%get3A] : memref<72xi32, #tpu.memory_space<smem>>
    %c0_i32 = arith.constant 0 : i32
    %c0_i32_1 = arith.constant 0 : i32
    %c0_i32_2 = arith.constant 0 : i32
    return %get3A_0, %c0_i32, %c0_i32_1 : i32, i32, i32
  }
  func.func @transform_2(%arg0: i32, %arg1: memref<72xi32, #tpu.memory_space<smem>>) -> (i32, i32, i32) {
    %get3A = arith.index_cast %arg0 : i32 to index
    %get3A_0 = memref.load %arg1[%get3A] : memref<72xi32, #tpu.memory_space<smem>>
    %c0_i32 = arith.constant 0 : i32
    %c0_i32_1 = arith.constant 0 : i32
    %c0_i32_2 = arith.constant 0 : i32
    return %get3A_0, %c0_i32, %c0_i32_1 : i32, i32, i32
  }
  func.func @transform_3(%arg0: i32, %arg1: memref<72xi32, #tpu.memory_space<smem>>) -> (i32, i32, i32) {
    %get3A = arith.index_cast %arg0 : i32 to index
    %get3A_0 = memref.load %arg1[%get3A] : memref<72xi32, #tpu.memory_space<smem>>
    %c0_i32 = arith.constant 0 : i32
    %c0_i32_1 = arith.constant 0 : i32
    %c0_i32_2 = arith.constant 0 : i32
    return %get3A_0, %c0_i32, %c0_i32_1 : i32, i32, i32
  }
  func.func @transform_4(%arg0: i32, %arg1: memref<72xi32, #tpu.memory_space<smem>>) -> (i32, i32, i32) {
    %get3A = arith.index_cast %arg0 : i32 to index
    %get3A_0 = memref.load %arg1[%get3A] : memref<72xi32, #tpu.memory_space<smem>>
    %c0_i32 = arith.constant 0 : i32
    %c0_i32_1 = arith.constant 0 : i32
    %c0_i32_2 = arith.constant 0 : i32
    return %get3A_0, %c0_i32, %c0_i32_1 : i32, i32, i32
  }
  func.func @transform_5(%arg0: i32, %arg1: memref<72xi32, #tpu.memory_space<smem>>) -> (i32, i32) {
    %c0_i32 = arith.constant 0 : i32
    %c0_i32_0 = arith.constant 0 : i32
    return %arg0, %c0_i32 : i32, i32
  }
}

module attributes {stable_mosaic.version = 14 : i64} {
  func.func @_combine_kernel(%arg0: i32, %arg1: memref<512x384xi32, #tpu.memory_space<vmem>>, %arg2: memref<512x1152xi32, #tpu.memory_space<vmem>>, %arg3: memref<512x3xf32, #tpu.memory_space<vmem>>, %arg4: memref<384x768xf32, #tpu.memory_space<vmem>>, %arg5: memref<1x384xf32, #tpu.memory_space<vmem>>, %arg6: memref<768x384xf32, #tpu.memory_space<vmem>>, %arg7: memref<1x768xf32, #tpu.memory_space<vmem>>, %arg8: memref<512x768xf32, #tpu.memory_space<vmem>>) attributes {dimension_semantics = [#tpu.dimension_semantics<arbitrary>], iteration_bounds = array<i64: 4>, scalar_prefetch = 0 : i64, scratch_operands = 0 : i64, tpu.core_type = #tpu.core_type<tc>, window_params = [{transform_indices = @transform_0, window_bounds = array<i64: 512, 384>}, {transform_indices = @transform_1, window_bounds = array<i64: 512, 1152>}, {transform_indices = @transform_2, window_bounds = array<i64: 512, 3>}, {pipeline_mode = #tpu.pipeline_mode<synchronous>, transform_indices = @transform_3, window_bounds = array<i64: 384, 768>}, {pipeline_mode = #tpu.pipeline_mode<synchronous>, transform_indices = @transform_4, window_bounds = array<i64: 1, 384>}, {pipeline_mode = #tpu.pipeline_mode<synchronous>, transform_indices = @transform_5, window_bounds = array<i64: 768, 384>}, {pipeline_mode = #tpu.pipeline_mode<synchronous>, transform_indices = @transform_6, window_bounds = array<i64: 1, 768>}, {transform_indices = @transform_7, window_bounds = array<i64: 512, 768>}]} {
    %get3A = arith.constant 0 : index
    %get3A_0 = arith.constant 0 : index
    %get3A_1 = vector.load %arg1[%get3A, %get3A_0] : memref<512x384xi32, #tpu.memory_space<vmem>>, vector<512x384xi32>
    %shift_left3A = arith.constant 16 : i32
    %shift_left3A_2 = vector.broadcast %shift_left3A : i32 to vector<512x384xi32>
    %shift_left3A_3 = arith.shli %get3A_1, %shift_left3A_2 : vector<512x384xi32>
    %bitcast_convert_type3A = tpu.bitcast %shift_left3A_3 : vector<512x384xi32> -> vector<512x384xf32>
    %and3A = arith.constant -65536 : i32
    %and3A_4 = vector.broadcast %and3A : i32 to vector<512x384xi32>
    %and3A_5 = arith.andi %get3A_1, %and3A_4 : vector<512x384xi32>
    %bitcast_convert_type3A_6 = tpu.bitcast %and3A_5 : vector<512x384xi32> -> vector<512x384xf32>
    %concatenate3A = tpu.concatenate %bitcast_convert_type3A, %bitcast_convert_type3A_6 in 1 : vector<512x384xf32>, vector<512x384xf32> -> vector<512x768xf32>
    %convert_element_type3A = arith.truncf %concatenate3A : vector<512x768xf32> to vector<512x768xbf16>
    %get3A_7 = arith.constant 0 : index
    %get3A_8 = arith.constant 0 : index
    %get3A_9 = vector.load %arg4[%get3A_7, %get3A_8] : memref<384x768xf32, #tpu.memory_space<vmem>>, vector<384x768xf32>
    %convert_element_type3A_10 = arith.truncf %get3A_9 : vector<384x768xf32> to vector<384x768xbf16>
    %dot_general3A = arith.constant dense<0.000000e+00> : vector<512x384xf32>
    %dot_general3A_11 = tpu.matmul %convert_element_type3A, %convert_element_type3A_10, %dot_general3A {dimension_numbers = #tpu.dot_dimension_numbers<[1], [1], [0], [0], [0, 0, 1, 0], [], []>, transpose_lhs_hint = false} : vector<512x768xbf16>, vector<384x768xbf16>, vector<512x384xf32> -> vector<512x384xf32>
    %get3A_12 = arith.constant 0 : index
    %get3A_13 = arith.constant 0 : index
    %get3A_14 = vector.load %arg5[%get3A_12, %get3A_13] : memref<1x384xf32, #tpu.memory_space<vmem>>, vector<1x384xf32>
    %add3A = vector.broadcast %get3A_14 : vector<1x384xf32> to vector<512x384xf32>
    %add3A_15 = arith.addf %dot_general3A_11, %add3A : vector<512x384xf32>
    %mul3A = arith.constant 5.000000e-01 : f32
    %mul3A_16 = vector.broadcast %mul3A : f32 to vector<512x384xf32>
    %mul3A_17 = arith.mulf %mul3A_16, %add3A_15 : vector<512x384xf32>
    %mul3A_18 = arith.constant 0.707106769 : f32
    %mul3A_19 = vector.broadcast %mul3A_18 : f32 to vector<512x384xf32>
    %mul3A_20 = arith.mulf %add3A_15, %mul3A_19 : vector<512x384xf32>
    %erf3A = math.erf %mul3A_20 : vector<512x384xf32>
    %add3A_21 = arith.constant 1.000000e+00 : f32
    %add3A_22 = vector.broadcast %add3A_21 : f32 to vector<512x384xf32>
    %add3A_23 = arith.addf %add3A_22, %erf3A : vector<512x384xf32>
    %mul3A_24 = arith.mulf %mul3A_17, %add3A_23 : vector<512x384xf32>
    %convert_element_type3A_25 = arith.truncf %mul3A_24 : vector<512x384xf32> to vector<512x384xbf16>
    %get3A_26 = arith.constant 0 : index
    %get3A_27 = arith.constant 0 : index
    %get3A_28 = vector.load %arg6[%get3A_26, %get3A_27] : memref<768x384xf32, #tpu.memory_space<vmem>>, vector<768x384xf32>
    %convert_element_type3A_29 = arith.truncf %get3A_28 : vector<768x384xf32> to vector<768x384xbf16>
    %dot_general3A_30 = arith.constant dense<0.000000e+00> : vector<512x768xf32>
    %dot_general3A_31 = tpu.matmul %convert_element_type3A_25, %convert_element_type3A_29, %dot_general3A_30 {dimension_numbers = #tpu.dot_dimension_numbers<[1], [1], [0], [0], [0, 0, 1, 0], [], []>, transpose_lhs_hint = false} : vector<512x384xbf16>, vector<768x384xbf16>, vector<512x768xf32> -> vector<512x768xf32>
    %get3A_32 = arith.constant 0 : index
    %get3A_33 = arith.constant 0 : index
    %get3A_34 = vector.load %arg7[%get3A_32, %get3A_33] : memref<1x768xf32, #tpu.memory_space<vmem>>, vector<1x768xf32>
    %add3A_35 = vector.broadcast %get3A_34 : vector<1x768xf32> to vector<512x768xf32>
    %add3A_36 = arith.addf %dot_general3A_31, %add3A_35 : vector<512x768xf32>
    %get3A_37 = arith.constant 0 : index
    %get3A_38 = arith.constant 0 : index
    %get3A_39 = vector.load %arg3[%get3A_37, %get3A_38] : memref<512x3xf32, #tpu.memory_space<vmem>>, vector<512x3xf32>
    %get3A_40 = arith.constant 0 : index
    %get3A_41 = arith.constant 0 : index
    %get3A_42 = vector.load %arg2[%get3A_40, %get3A_41] : memref<512x1152xi32, #tpu.memory_space<vmem>>, vector<512x1152xi32>
    %slice3A = vector.extract_strided_slice %get3A_39 {offsets = [0, 0], sizes = [512, 1], strides = [1, 1]} : vector<512x3xf32> to vector<512x1xf32>
    %slice3A_43 = vector.extract_strided_slice %get3A_42 {offsets = [0, 0], sizes = [512, 384], strides = [1, 1]} : vector<512x1152xi32> to vector<512x384xi32>
    %shift_left3A_44 = arith.constant 16 : i32
    %shift_left3A_45 = vector.broadcast %shift_left3A_44 : i32 to vector<512x384xi32>
    %shift_left3A_46 = arith.shli %slice3A_43, %shift_left3A_45 : vector<512x384xi32>
    %bitcast_convert_type3A_47 = tpu.bitcast %shift_left3A_46 : vector<512x384xi32> -> vector<512x384xf32>
    %and3A_48 = arith.constant -65536 : i32
    %and3A_49 = vector.broadcast %and3A_48 : i32 to vector<512x384xi32>
    %and3A_50 = arith.andi %slice3A_43, %and3A_49 : vector<512x384xi32>
    %bitcast_convert_type3A_51 = tpu.bitcast %and3A_50 : vector<512x384xi32> -> vector<512x384xf32>
    %concatenate3A_52 = tpu.concatenate %bitcast_convert_type3A_47, %bitcast_convert_type3A_51 in 1 : vector<512x384xf32>, vector<512x384xf32> -> vector<512x768xf32>
    %mul3A_53 = vector.broadcast %slice3A : vector<512x1xf32> to vector<512x768xf32>
    %mul3A_54 = arith.mulf %mul3A_53, %concatenate3A_52 : vector<512x768xf32>
    %add3A_55 = arith.addf %add3A_36, %mul3A_54 : vector<512x768xf32>
    %slice3A_56 = vector.extract_strided_slice %get3A_39 {offsets = [0, 1], sizes = [512, 1], strides = [1, 1]} : vector<512x3xf32> to vector<512x1xf32>
    %slice3A_57 = vector.extract_strided_slice %get3A_42 {offsets = [0, 384], sizes = [512, 384], strides = [1, 1]} : vector<512x1152xi32> to vector<512x384xi32>
    %shift_left3A_58 = arith.constant 16 : i32
    %shift_left3A_59 = vector.broadcast %shift_left3A_58 : i32 to vector<512x384xi32>
    %shift_left3A_60 = arith.shli %slice3A_57, %shift_left3A_59 : vector<512x384xi32>
    %bitcast_convert_type3A_61 = tpu.bitcast %shift_left3A_60 : vector<512x384xi32> -> vector<512x384xf32>
    %and3A_62 = arith.constant -65536 : i32
    %and3A_63 = vector.broadcast %and3A_62 : i32 to vector<512x384xi32>
    %and3A_64 = arith.andi %slice3A_57, %and3A_63 : vector<512x384xi32>
    %bitcast_convert_type3A_65 = tpu.bitcast %and3A_64 : vector<512x384xi32> -> vector<512x384xf32>
    %concatenate3A_66 = tpu.concatenate %bitcast_convert_type3A_61, %bitcast_convert_type3A_65 in 1 : vector<512x384xf32>, vector<512x384xf32> -> vector<512x768xf32>
    %mul3A_67 = vector.broadcast %slice3A_56 : vector<512x1xf32> to vector<512x768xf32>
    %mul3A_68 = arith.mulf %mul3A_67, %concatenate3A_66 : vector<512x768xf32>
    %add3A_69 = arith.addf %add3A_55, %mul3A_68 : vector<512x768xf32>
    %slice3A_70 = vector.extract_strided_slice %get3A_39 {offsets = [0, 2], sizes = [512, 1], strides = [1, 1]} : vector<512x3xf32> to vector<512x1xf32>
    %slice3A_71 = vector.extract_strided_slice %get3A_42 {offsets = [0, 768], sizes = [512, 384], strides = [1, 1]} : vector<512x1152xi32> to vector<512x384xi32>
    %shift_left3A_72 = arith.constant 16 : i32
    %shift_left3A_73 = vector.broadcast %shift_left3A_72 : i32 to vector<512x384xi32>
    %shift_left3A_74 = arith.shli %slice3A_71, %shift_left3A_73 : vector<512x384xi32>
    %bitcast_convert_type3A_75 = tpu.bitcast %shift_left3A_74 : vector<512x384xi32> -> vector<512x384xf32>
    %and3A_76 = arith.constant -65536 : i32
    %and3A_77 = vector.broadcast %and3A_76 : i32 to vector<512x384xi32>
    %and3A_78 = arith.andi %slice3A_71, %and3A_77 : vector<512x384xi32>
    %bitcast_convert_type3A_79 = tpu.bitcast %and3A_78 : vector<512x384xi32> -> vector<512x384xf32>
    %concatenate3A_80 = tpu.concatenate %bitcast_convert_type3A_75, %bitcast_convert_type3A_79 in 1 : vector<512x384xf32>, vector<512x384xf32> -> vector<512x768xf32>
    %mul3A_81 = vector.broadcast %slice3A_70 : vector<512x1xf32> to vector<512x768xf32>
    %mul3A_82 = arith.mulf %mul3A_81, %concatenate3A_80 : vector<512x768xf32>
    %add3A_83 = arith.addf %add3A_69, %mul3A_82 : vector<512x768xf32>
    %swap3A = arith.constant 0 : index
    %swap3A_84 = arith.constant 0 : index
    %swap3A_85 = vector.load %arg8[%swap3A, %swap3A_84] : memref<512x768xf32, #tpu.memory_space<vmem>>, vector<512x768xf32>
    tpu.vector_store %arg8[%swap3A, %swap3A_84], %add3A_83 {strides = array<i32>} : memref<512x768xf32, #tpu.memory_space<vmem>>, vector<512x768xf32>,
    return
  }
  func.func @transform_0(%arg0: i32) -> (i32, i32) {
    %c0_i32 = arith.constant 0 : i32
    %c0_i32_0 = arith.constant 0 : i32
    return %arg0, %c0_i32 : i32, i32
  }
  func.func @transform_1(%arg0: i32) -> (i32, i32) {
    %c0_i32 = arith.constant 0 : i32
    %c0_i32_0 = arith.constant 0 : i32
    return %arg0, %c0_i32 : i32, i32
  }
  func.func @transform_2(%arg0: i32) -> (i32, i32) {
    %c0_i32 = arith.constant 0 : i32
    %c0_i32_0 = arith.constant 0 : i32
    return %arg0, %c0_i32 : i32, i32
  }
  func.func @transform_3(%arg0: i32) -> (i32, i32) {
    %c0_i32 = arith.constant 0 : i32
    %c0_i32_0 = arith.constant 0 : i32
    %c0_i32_1 = arith.constant 0 : i32
    return %c0_i32, %c0_i32_0 : i32, i32
  }
  func.func @transform_4(%arg0: i32) -> (i32, i32) {
    %c0_i32 = arith.constant 0 : i32
    %c0_i32_0 = arith.constant 0 : i32
    %c0_i32_1 = arith.constant 0 : i32
    return %c0_i32, %c0_i32_0 : i32, i32
  }
  func.func @transform_5(%arg0: i32) -> (i32, i32) {
    %c0_i32 = arith.constant 0 : i32
    %c0_i32_0 = arith.constant 0 : i32
    %c0_i32_1 = arith.constant 0 : i32
    return %c0_i32, %c0_i32_0 : i32, i32
  }
  func.func @transform_6(%arg0: i32) -> (i32, i32) {
    %c0_i32 = arith.constant 0 : i32
    %c0_i32_0 = arith.constant 0 : i32
    %c0_i32_1 = arith.constant 0 : i32
    return %c0_i32, %c0_i32_0 : i32, i32
  }
  func.func @transform_7(%arg0: i32) -> (i32, i32) {
    %c0_i32 = arith.constant 0 : i32
    %c0_i32_0 = arith.constant 0 : i32
    return %arg0, %c0_i32 : i32, i32
  }
}

</mosaic_0001>

<sc_bundles>
// kernel: kernel.10.cloned.1.call-start
scs
__scs_entry_jumppad:
0x0: {  	(pc) =	sbr.rel $0x88, $3  }
0x1: {  	(tag) =	ssettag $0x0;
	lr =	simm.s32 $0x1  }
0x2: {  	[smem:$0x3F95] =	sst lr;
	_ =	strace $0xD0000000  }
0x3: {  	_ = 	snop  }
0x4: {  	_ = 	snop  }
0x5: {  	_ = 	snop  }
0x6: {  	_ = 	snop  }
0x7: {  	_ = 	snop  }
__scs_overlays_trampoline_lowered:
0x8: {  	[smem:$0x3FA4] =	sst s0  }
0x9: {  	[smem:$0x3FA5] =	sst s1  }
0xa: {  	[smem:$0x3FA6] =	sst s2  }
0xb: {  	[smem:$0x3FA7] =	sst s3  }
0xc: {  	[smem:$0x3FA8] =	sst s4  }
0xd: {  	[smem:$0x3FA9] =	sst s5  }
0xe: {  	[smem:$0x3FAA] =	sst s6  }
0xf: {  	[smem:$0x3FAB] =	sst s7  }
0x10: {  	[smem:$0x3FAC] =	sst s8  }
0x11: {  	[smem:$0x3FAD] =	sst s9;
	s0 =	simm.s32 @!p0 $0x0  }
0x12: {  	s1 =	sld [smem:$0x3F93];
	s0 =	simm.s32 @p0 $0x1  }
0x13: {  	[smem:$0x3FAE] =	sst s0;
	s0 =	simm.s32 @!p1 $0x0  }
0x14: {  	s2 =	sld [smem:$0x3F92];
	s0 =	simm.s32 @p1 $0x1  }
0x15: {  	[smem:$0x3FAF] =	sst s0;
	s0 =	simm.s32 @!p2 $0x0  }
0x16: {  	s3 =	sld [smem:$0x3FDB];
	s0 =	simm.s32 @p2 $0x1  }
0x17: {  	s4 =	simm.s32 $0x1BF5;
	[smem:$0x3FB1] =	sst s0  }
0x18: {  	s0 =	sld [smem:$0x3F94];
	_ =	swait.ge [sflag:s4], $0x0  }
0x19: {  	s7 =	sld [smem:$0x3F95]  }
0x1a: {  	s8 =	sadd.s32 $0xFFFFE003, lr  }
0x1b: {  	s9 =	sadd.s32 $0xFFFFFEF7, lr;
	s5 =	simm.s32 $0xFFFFFFFF;
	p2 =	slt.u32 s8, $0xFFFFF086  }
0x1c: {  	p1 =	slt.u32 s9, $0xF7A;
	s5 =	simm.s32 @!p2 $0x0  }
0x1d: {  	s5 =	simm.s32 @p1 $0x1;
	p0 =	seq.s32 s7, s2  }
0x1e: {  	s7 =	smul.u32 @!p0 $0xF7A, s2;
	p2 =	seq.s32 @!p0 s5, $0x0  }
0x1f: {  	s9 =	smul.u32 $0xF7A, s1;
	s8 =	simm.s32 @!p0 $0x1BF5;
	p2 =	por !p2, p0  }
0x20: {  	[sflag:s8] =	ssyncset.s32 @!p0 $0xFFFFF086;
	s6 =	sadd.s32 @!p0 s3, s7;
	s7 =	simm.s32 @!p0 $0x108  }
0x21: {  	s3 =	sadd.s32 s3, s9;
	s6 =	sadd.s32 @!p0 $0x88, s6;
	s7 =	simm.s32 @p2 $0x1082  }
0x22: {  	[simem:s7], [sflag:s8] =	dma.local @!p0 [hbm:s6], $0xF7A  }
0x23: {  	s9 =	sor.u32 $0xD0000000, s2;
	s6 =	simm.s32 $0x108;
	_ =	swait.ge @!p0 [sflag:s8], $0x0  }
0x24: {  	s3 =	sadd.s32 $0x88, s3;
	s6 =	simm.s32 @!p1 $0x1082;
	[sflag:s4] =	ssyncset.s32 $0xFFFFF086  }
0x25: {  	[simem:s6], [sflag:s4] =	dma.local [hbm:s3], $0xF7A  }
0x26: {  	[smem:$0x3F95] =	sst s1;
	(tag) =	ssettag s2;
	_ =	strace s9  }
0x27: {  	s1 =	sld [smem:$0x3FA5]  }
0x28: {  	s2 =	sld [smem:$0x3FA6]  }
0x29: {  	s4 =	sld [smem:$0x3FA8]  }
0x2a: {  	p0 =	seq.s32 s5, $0x0;
	s5 =	sld [smem:$0x3FA9]  }
0x2b: {  	s6 =	sld [smem:$0x3FAA]  }
0x2c: {  	s7 =	sld [smem:$0x3FAB]  }
0x2d: {  	s3 =	simm.s32 $0x108;
	s8 =	sld [smem:$0x3FAC]  }
0x2e: {  	s3 =	simm.s32 @!p0 $0x1082;
	s9 =	sld [smem:$0x3FAD]  }
0x2f: {  	lr =	sadd.s32 s0, s3;
	s0 =	sld [smem:$0x3FA4]  }
0x30: {  	s3 =	sld [smem:$0x3FA7]  }
0x31: {  	[smem:$0x3FB0] =	sst s10  }
0x32: {  	s10 =	sld [smem:$0x3FAE];
	_ =	sdelay $0x3  }
0x33: {  	p0 =	seq.s32 s10, $0x1;
	s10 =	sld [smem:$0x3FB0];
	_ =	sdelay $0x3  }
0x34: {  	[smem:$0x3FB0] =	sst s10  }
0x35: {  	s10 =	sld [smem:$0x3FAF];
	_ =	sdelay $0x3  }
0x36: {  	p1 =	seq.s32 s10, $0x1;
	s10 =	sld [smem:$0x3FB0];
	_ =	sdelay $0x3  }
0x37: {  	[smem:$0x3FB0] =	sst s10  }
0x38: {  	s10 =	sld [smem:$0x3FB1]  }
0x39: {  	_ = 	snop;
	(pc) =	sbr.ind lr, $3  }
0x3a: {  	_ = 	snop  }
0x3b: {  	_ = 	snop  }
0x3c: {  	p2 =	seq.s32 s10, $0x1;
	s10 =	sld [smem:$0x3FB0]  }
0x3d: {  	_ =	shalt  }
0x3e: {  	_ =	shalt  }
0x3f: {  	_ =	shalt  }
0x40: {  	_ =	shalt  }
0x41: {  	_ =	shalt  }
0x42: {  	_ =	shalt  }
0x43: {  	_ =	shalt  }
0x44: {  	_ =	shalt  }
0x45: {  	_ =	shalt  }
0x46: {  	_ =	shalt  }
0x47: {  	_ =	shalt  }
0x48: {  	_ =	shalt  }
0x49: {  	_ =	shalt  }
0x4a: {  	_ =	shalt  }
0x4b: {  	_ =	shalt  }
0x4c: {  	_ =	shalt  }
0x4d: {  	_ =	shalt  }
0x4e: {  	_ =	shalt  }
0x4f: {  	_ =	shalt  }
0x50: {  	_ =	shalt  }
0x51: {  	_ =	shalt  }
0x52: {  	_ =	shalt  }
0x53: {  	_ =	shalt  }
0x54: {  	_ =	shalt  }
0x55: {  	_ =	shalt  }
0x56: {  	_ =	shalt  }
0x57: {  	_ =	shalt  }
0x58: {  	_ =	shalt  }
0x59: {  	_ =	shalt  }
0x5a: {  	_ =	shalt  }
0x5b: {  	_ =	shalt  }
0x5c: {  	_ =	shalt  }
0x5d: {  	_ =	shalt  }
0x5e: {  	_ =	shalt  }
0x5f: {  	_ =	shalt  }
0x60: {  	_ =	shalt  }
0x61: {  	_ =	shalt  }
0x62: {  	_ =	shalt  }
0x63: {  	_ =	shalt  }
0x64: {  	_ =	shalt  }
0x65: {  	_ =	shalt  }
0x66: {  	_ =	shalt  }
0x67: {  	_ =	shalt  }
0x68: {  	_ =	shalt  }
0x69: {  	_ =	shalt  }
0x6a: {  	_ =	shalt  }
0x6b: {  	_ =	shalt  }
0x6c: {  	_ =	shalt  }
0x6d: {  	_ =	shalt  }
0x6e: {  	_ =	shalt  }
0x6f: {  	_ =	shalt  }
0x70: {  	_ =	shalt  }
0x71: {  	_ =	shalt  }
0x72: {  	_ =	shalt  }
0x73: {  	_ =	shalt  }
0x74: {  	_ =	shalt  }
0x75: {  	_ =	shalt  }
0x76: {  	_ =	shalt  }
0x77: {  	_ =	shalt  }
0x78: {  	_ =	shalt  }
0x79: {  	_ =	shalt  }
0x7a: {  	_ =	shalt  }
0x7b: {  	_ =	shalt  }
0x7c: {  	_ =	shalt  }
0x7d: {  	_ =	shalt  }
0x7e: {  	_ =	shalt  }
0x7f: {  	_ =	shalt  }
0x80: {  	_ =	shalt  }
0x81: {  	_ =	shalt  }
0x82: {  	_ =	shalt  }
0x83: {  	_ =	shalt  }
0x84: {  	_ =	shalt  }
0x85: {  	_ =	shalt  }
0x86: {  	_ =	shalt  }
0x87: {  	_ =	shalt  }
.Lfunc_end0:
.L_simem_size_0:
called_computation.1_lowered:
.L_overlay_start_0:
0x88: {  	s2 =	sld [smem:$0x3FD9]  }
0x89: {  	s3 =	sld [smem:$0x3FFE];
	_ =	sdelay $0x1  }
0x8a: {  	s1 =	srdreg.scid  }
0x8b: {  	s0 =	sand.u32 $0x1, s1  }
0x8c: {  	s16 =	sshll.u32 s0, $0xA;
	s2 =	sadd.s32 s3, s2  }
0x8d: {  	s2 =	sadd.s32 s2, s16  }
0x8e: {  	[smem:$0x3FBC] =	sst s2  }
0x8f: {  	_ = 	snop  }
0x90: {  	(tm) =	ssettm $0x1  }
0x91: {  	s17 =	sld [smem:$0x3FFB];
	_ =	sdelay $0x3  }
0x92: {  	_ =	strace s17  }
0x93: {  	s2 =	sld [smem:$0x3FFC];
	_ =	sdelay $0x3  }
0x94: {  	_ =	strace s2  }
0x95: {  	s2 =	sld [smem:$0x3FFD];
	_ =	sdelay $0x3  }
0x96: {  	_ =	strace s2  }
0x97: {  	_ =	strace $0x8FFFFFFF  }
0x98: {  	s18 =	sld [smem:$0x3FDB];
	_ =	sdelay $0x1  }
0x99: {  	s19 =	simm.s32 $_scs_section_size  }
0x9a: {  	s4 =	simm.s32 $_size__tile_overlayer_lowered;
	s5 =	simm.s32 $_tile_overlayer_lowered  }
0x9b: {  	s22 =	simm.s32 $0x1BFF;
	s21 =	sshll.u32 s5, $0x1;
	s2 =	sadd.s32 s19, s18  }
0x9c: {  	s6 =	simm.s32 $0x0;
	s20 =	sshll.u32 s4, $0x1;
	s4 =	sadd.s32 s21, s2  }
0x9d: {  	[timem:s6], [sflag:s22] =	dma.local [hbm:s4], s20  }
0x9e: {  	_ =	swait.ge [sflag:s22], s20  }
0x9f: {  	s3 =	ssub.s32 $0x0, s20;
	[sflag:s22] =	ssyncset.done $0x0  }
0xa0: {  	[sflag:s22] =	ssyncadd.s32 s3;
	_ =	sdelay $0x1  }
0xa1: {  	s23 =	simm.s32 $0x1B8B  }
0xa2: {  	_ =	swait.ge [sflag:s23], $0x1  }
0xa3: {  	[sflag:s23] =	ssyncset.done $0x0  }
0xa4: {  	s25 =	simm.s32 $0x1B8E;
	s24 =	sld [smem:$0x3FFE];
	[sflag:s23] =	ssyncadd.s32 $0xFFFFFFFF  }
0xa5: {  	s26 =	simm.s32 $execute0_lowered;
	[smem:$0x3FD2] =	sst s25  }
0xa6: {  	s4 =	sshll.u32 s26, $0x1;
	_ =	strace $0x80000049;
	[dreg:$0x1] =	wrdreg $0xFFFFFFFF  }
0xa7: {  	s28 =	simm.s32 $_size_execute0_lowered;
	s2 =	sadd.s32 s2, s4;
	[dreg:$0x0] =	wrdreg $0x0  }
0xa8: {  	s4 =	sshll.u32 s28, $0x1;
	[dreg:$0x2] =	wrdreg s2  }
0xa9: {  	[dreg:$0x3] =	wrdreg s4  }
0xaa: {  	[dreg:$0x4] =	wrdreg $0xC0  }
0xab: {  	_ =	task [dreg:s6], $0x5FFFF  }
0xac: {  	[dreg:$0x1] =	wrdreg $0xFFFFFFFF  }
0xad: {  	[dreg:$0x0] =	wrdreg $0x60  }
0xae: {  	[dreg:$0x2] =	wrdreg s24  }
0xaf: {  	[dreg:$0x3] =	wrdreg $0x9  }
0xb0: {  	_ =	task.clear_ibuf [dreg:s6], $0x4FFFF;
	_ =	strace $0x90000049  }
0xb1: {  	s29 =	simm.s32 $0x9;
	_ =	strace $0x8000004B  }
0xb2: {  	_ =	swait.ge [sflag:s29], $0x1  }
0xb3: {  	[sflag:s29] =	ssyncadd.s32 $0xFFFFFFFF  }
0xb4: {  	_ =	strace $0x9000004B  }
0xb5: {  	_ =	sfence  }
0xb6: {  	s30 =	sld [smem:$0x0];
	_ =	sdelay $0x2  }
0xb7: {  	s31 =	sshll.u32 s1, $0xD;
	s1 =	sshrl.u32 s1, $0x2  }
0xb8: {  	s3 =	sand.u32 $0x4000, s31;
	s1 =	sadd.s32 s1, s30  }
0xb9: {  	s0 =	sor.u32 s3, s0;
	s1 =	sshll.u32 s1, $0x11  }
0xba: {  	s0 =	sor.u32 s1, s0  }
0xbb: {  	s0 =	sadd.s32 $0x8F2B, s0  }
0xbc: {  	[sflag:s0] =	ssyncadd.remote.s32 $0x1  }
0xbd: {  	_ =	sfence.sel $0xFFFF  }
0xbe: {  	[dreg:$0x0] =	wrdreg $0xFFFFFFFF;
	(pc) =	sbr.abs _section_cstart, $3  }
0xbf: {  	[dreg:$0x1] =	wrdreg $0xFFFFFFFF  }
0xc0: {  	_ =	task.clear_ibuf [dreg:s6], $0x2FFFF;
	_ =	strace $0x9FFFFFFF  }
0xc1: {  	(tm) =	ssettm $0x7FFFFFFF  }
tec
execute0_lowered:
.L_overlay_start_1:
0x0: {  	(tag) =	ssettag $0x1  }
0x1: {  	s1 =	srdreg.scid;
	s0 =	stileid.u32  }
0x2: {  	s2 =	simm.s32 $0x0;
	s4 =	sand.u32 $0x1, s1;
	s22 =	sshll.u32 s0, $0x1  }
0x3: {  	[smem:$0x7FF] =	sst s2;
	s1 =	sor.u32 s4, s22  }
0x4: {  	s24 =	simm.s32 $0x12000;
	s3 =	smul.u32 $0xC0, s1;
	s1 =	rddreg [dreg:$0x0]  }
0x5: {  	s25 =	simm.s32 $0x800;
	_ =	strace $0x8000004A;
	[dreg:$0x6] =	wrdreg s24  }
0x6: {  	s26 =	simm.s32 $0xC00;
	[dreg:$0x7] =	wrdreg s25  }
0x7: {  	s0 =	simm.s32 $0x1400;
	[dreg:$0x8] =	wrdreg s26  }
0x8: {  	s7 =	simm.s32 $0x2400;
	[dreg:$0x9] =	wrdreg s0  }
0x9: {  	s8 =	simm.s32 $0x2C00;
	[dreg:$0xc] =	wrdreg s7  }
0xa: {  	s9 =	simm.s32 $0x3000;
	[dreg:$0xd] =	wrdreg s8  }
0xb: {  	s10 =	simm.s32 $0x3800;
	[dreg:$0xe] =	wrdreg s9  }
0xc: {  	s11 =	simm.s32 $0x3C00;
	[dreg:$0xf] =	wrdreg s10  }
0xd: {  	s12 =	simm.s32 $0x4400;
	[dreg:$0x10] =	wrdreg s11  }
0xe: {  	s13 =	simm.s32 $0x4800;
	[dreg:$0x11] =	wrdreg s12  }
0xf: {  	s14 =	simm.s32 $0x5000;
	[dreg:$0x12] =	wrdreg s13  }
0x10: {  	s15 =	simm.s32 $0x5400;
	[dreg:$0x13] =	wrdreg s14  }
0x11: {  	s16 =	simm.s32 $0x5C00;
	[dreg:$0x14] =	wrdreg s15  }
0x12: {  	s17 =	simm.s32 $0x6000;
	[dreg:$0x15] =	wrdreg s16  }
0x13: {  	s18 =	simm.s32 $0x6800;
	s19 =	simm.s32 $0x6C00;
	[dreg:$0x16] =	wrdreg s17  }
0x14: {  	s20 =	simm.s32 $0x7400;
	s21 =	simm.s32 $0x7800;
	[dreg:$0x17] =	wrdreg s18  }
0x15: {  	s28 =	simm.s32 $0x10800;
	s29 =	simm.s32 $0x11000;
	[dreg:$0x18] =	wrdreg s19  }
0x16: {  	s30 =	simm.s32 $0x11400;
	s4 =	ssub.s32 $0x2, s4;
	[dreg:$0x19] =	wrdreg s20  }
0x17: {  	s31 =	simm.s32 $0x11C00;
	s22 =	sshrl.u32 s4, $0x1;
	[dreg:$0x1a] =	wrdreg s21  }
0x18: {  	s24 =	simm.s32 $0x8400;
	s25 =	simm.s32 $0x8C00;
	s26 =	simm.s32 $0x12080  }
0x19: {  	s7 =	simm.s32 $0x9000;
	s10 =	simm.s32 $0xA400;
	s11 =	simm.s32 $0xA800  }
0x1a: {  	s12 =	simm.s32 $0xB000;
	s13 =	simm.s32 $0xB400;
	s14 =	simm.s32 $0xBC00  }
0x1b: {  	s15 =	simm.s32 $0xC000;
	s16 =	simm.s32 $0xC800;
	s17 =	simm.s32 $0xCC00  }
0x1c: {  	s18 =	simm.s32 $0xD400;
	s19 =	simm.s32 $0xD800;
	[dreg:$0x1c] =	wrdreg s24  }
0x1d: {  	s20 =	simm.s32 $0xE000;
	[dreg:$0x1d] =	wrdreg s25;
	s3 =	sshrl.u32 s3, $0x3  }
0x1e: {  	s21 =	simm.s32 $0xE400;
	[dreg:$0x1e] =	wrdreg s26;
	s5 =	sadd.s32 s3, s1  }
0x1f: {  	s24 =	simm.s32 $0xF800;
	s25 =	simm.s32 $0xFC00;
	s6 =	sadd.s32 $0x6DC00, s5  }
0x20: {  	s3 =	smul.u32 $0x180, s3;
	s5 =	sadd.s32 $0x6DC0C, s5;
	[dreg:$0x2] =	wrdreg s6  }
0x21: {  	s26 =	simm.s32 $0x10400;
	[dreg:$0x3] =	wrdreg s5;
	s5 =	simm.s32 $0x1800  }
0x22: {  	s3 =	sadd.s32 s3, s1;
	s6 =	simm.s32 $0x2000;
	[dreg:$0xa] =	wrdreg s5  }
0x23: {  	s23 =	sadd.s32 $0x6E000, s3;
	s3 =	sadd.s32 $0x6F200, s3;
	[dreg:$0xb] =	wrdreg s6  }
0x24: {  	s6 =	ssub.s32 s4, s22;
	s4 =	sadd.s32 $0x1700, s1;
	[dreg:$0x4] =	wrdreg s23  }
0x25: {  	v2 =	vlaneseq.u32;
	s22 =	simm.s32 $0xEC00;
	[dreg:$0x5] =	wrdreg s3;
	s3 =	sadd.s32 $0x1600, s1  }
0x26: {  	vm0 =	vmmov $0xffff;
	vm1 =	vmmov $0xff;
	v1 =	vshrl.u32 v2, $0x3;
	s23 =	simm.s32 $0x8000;
	s5 =	smax.u32 s6, $0x1;
	s6 =	simm.s32 $0x2  }
0x27: {  	v0 =	vand.u32 $0x7, v2;
	v2 =	vor.u32 $0x8, v2;
	v1 =	vmul.u32 $0x8, v1;
	s1 =	simm.s32 $0x1;
	[dreg:$0x1b] =	wrdreg s23;
	s23 =	simm.s32 $0xF000  }
.LBB2_1:
0x28: {  	s0 =	rddreg [dreg:$0x2]  }
0x29: {  	s8 =	rddreg [dreg:$0x6]  }
0x2a: {  	[tilespmem:s8], [sflag:$0x2] =	stream.linear.gather [hbm4b:s0+s2], $0x60, $0x38;
	[tilespmem:$0x12100] =	vst v63  }
0x2b: {  	_ =	swait.ge [sflag:s6], $0x60  }
0x2c: {  	[sflag:s6] =	ssyncset.done $0x0  }
0x2d: {  	[sflag:s6] =	ssyncadd.s32 $0xFFFFFFA0  }
0x2e: {  	v3 =	vld [tilespmem:$0x12000];
	_ =	sdelay $0x4  }
0x2f: {  	v4 =	vshrl.u32 v3, $0x3  }
0x30: {  	v4 =	vmul.u32 $0x18, v4  }
0x31: {  	v3 =	vand.u32 $0x7, v3  }
0x32: {  	v3 =	vor.u32 v3, v4  }
0x33: {  	v4 =	vperm.xlane v3, v0;
	_ =	sdelay $0x1  }
0x34: {  	v4 =	vadd.s32 v1, v4;
	_ =	sdelay $0x1  }
0x35: {  	v3 =	vperm.xlane v3, v2;
	_ =	sdelay $0x1  }
0x36: {  	v3 =	vadd.s32 v1, v3  }
0x37: {  	[tilespmem:s2], [sflag:$0x1] =	stream.indirect_vreg.gather [hbm4b:s3+s2], $0x80, v4, vm0, $0xb8;
	[tilespmem:$0x12100] =	vst v63  }
0x38: {  	s9 =	rddreg [dreg:$0x7]  }
0x39: {  	[tilespmem:s9], [sflag:$0x1] =	stream.indirect_vreg.gather [hbm4b:s4+s2], $0x80, v4, vm1, $0xb8;
	[tilespmem:$0x12100] =	vst v63  }
0x3a: {  	s8 =	rddreg [dreg:$0x8]  }
0x3b: {  	[tilespmem:s8], [sflag:$0x1] =	stream.indirect_vreg.gather [hbm4b:s3+s2], $0x80, v3, vm0, $0xb8;
	[tilespmem:$0x12100] =	vst v63  }
0x3c: {  	s9 =	rddreg [dreg:$0x9]  }
0x3d: {  	[tilespmem:s9], [sflag:$0x1] =	stream.indirect_vreg.gather [hbm4b:s4+s2], $0x80, v3, vm1, $0xb8;
	[tilespmem:$0x12100] =	vst v63  }
0x3e: {  	v3 =	vld [tilespmem:$0x12010];
	_ =	sdelay $0x4  }
0x3f: {  	v53 =	vshrl.u32 v3, $0x3  }
0x40: {  	v4 =	vmul.u32 $0x18, v53  }
0x41: {  	v3 =	vand.u32 $0x7, v3  }
0x42: {  	v3 =	vor.u32 v3, v4  }
0x43: {  	v4 =	vperm.xlane v3, v0;
	_ =	sdelay $0x1  }
0x44: {  	v4 =	vadd.s32 v1, v4;
	_ =	sdelay $0x1  }
0x45: {  	v3 =	vperm.xlane v3, v2;
	_ =	sdelay $0x1  }
0x46: {  	s8 =	rddreg [dreg:$0xa];
	v3 =	vadd.s32 v1, v3  }
0x47: {  	[tilespmem:s8], [sflag:$0x1] =	stream.indirect_vreg.gather [hbm4b:s3+s2], $0x80, v4, vm0, $0xb8;
	[tilespmem:$0x12100] =	vst v63  }
0x48: {  	s9 =	rddreg [dreg:$0xb]  }
0x49: {  	[tilespmem:s9], [sflag:$0x1] =	stream.indirect_vreg.gather [hbm4b:s4+s2], $0x80, v4, vm1, $0xb8;
	[tilespmem:$0x12100] =	vst v63  }
0x4a: {  	s0 =	rddreg [dreg:$0xc]  }
0x4b: {  	[tilespmem:s0], [sflag:$0x1] =	stream.indirect_vreg.gather [hbm4b:s3+s2], $0x80, v3, vm0, $0xb8;
	[tilespmem:$0x12100] =	vst v63  }
0x4c: {  	s9 =	rddreg [dreg:$0xd]  }
0x4d: {  	[tilespmem:s9], [sflag:$0x1] =	stream.indirect_vreg.gather [hbm4b:s4+s2], $0x80, v3, vm1, $0xb8;
	[tilespmem:$0x12100] =	vst v63  }
0x4e: {  	v3 =	vld [tilespmem:$0x12020];
	_ =	sdelay $0x4  }
0x4f: {  	v54 =	vshrl.u32 v3, $0x3  }
0x50: {  	v4 =	vmul.u32 $0x18, v54  }
0x51: {  	v3 =	vand.u32 $0x7, v3  }
0x52: {  	v3 =	vor.u32 v3, v4  }
0x53: {  	v4 =	vperm.xlane v3, v0;
	_ =	sdelay $0x1  }
0x54: {  	v4 =	vadd.s32 v1, v4;
	_ =	sdelay $0x1  }
0x55: {  	v3 =	vperm.xlane v3, v2;
	_ =	sdelay $0x1  }
0x56: {  	s8 =	rddreg [dreg:$0xe];
	v3 =	vadd.s32 v1, v3  }
0x57: {  	[tilespmem:s8], [sflag:$0x1] =	stream.indirect_vreg.gather [hbm4b:s3+s2], $0x80, v4, vm0, $0xb8;
	[tilespmem:$0x12100] =	vst v63  }
0x58: {  	s9 =	rddreg [dreg:$0xf]  }
0x59: {  	[tilespmem:s9], [sflag:$0x1] =	stream.indirect_vreg.gather [hbm4b:s4+s2], $0x80, v4, vm1, $0xb8;
	[tilespmem:$0x12100] =	vst v63  }
0x5a: {  	s0 =	rddreg [dreg:$0x10]  }
0x5b: {  	[tilespmem:s0], [sflag:$0x1] =	stream.indirect_vreg.gather [hbm4b:s3+s2], $0x80, v3, vm0, $0xb8;
	[tilespmem:$0x12100] =	vst v63  }
0x5c: {  	s9 =	rddreg [dreg:$0x11]  }
0x5d: {  	[tilespmem:s9], [sflag:$0x1] =	stream.indirect_vreg.gather [hbm4b:s4+s2], $0x80, v3, vm1, $0xb8;
	[tilespmem:$0x12100] =	vst v63  }
0x5e: {  	v3 =	vld [tilespmem:$0x12030];
	_ =	sdelay $0x4  }
0x5f: {  	v55 =	vshrl.u32 v3, $0x3  }
0x60: {  	v4 =	vmul.u32 $0x18, v55  }
0x61: {  	v3 =	vand.u32 $0x7, v3  }
0x62: {  	v3 =	vor.u32 v3, v4  }
0x63: {  	v4 =	vperm.xlane v3, v0;
	_ =	sdelay $0x1  }
0x64: {  	v4 =	vadd.s32 v1, v4;
	_ =	sdelay $0x1  }
0x65: {  	v3 =	vperm.xlane v3, v2;
	_ =	sdelay $0x1  }
0x66: {  	s8 =	rddreg [dreg:$0x12];
	v3 =	vadd.s32 v1, v3  }
0x67: {  	[tilespmem:s8], [sflag:$0x1] =	stream.indirect_vreg.gather [hbm4b:s3+s2], $0x80, v4, vm0, $0xb8;
	[tilespmem:$0x12100] =	vst v63  }
0x68: {  	s9 =	rddreg [dreg:$0x13]  }
0x69: {  	[tilespmem:s9], [sflag:$0x1] =	stream.indirect_vreg.gather [hbm4b:s4+s2], $0x80, v4, vm1, $0xb8;
	[tilespmem:$0x12100] =	vst v63  }
0x6a: {  	s0 =	rddreg [dreg:$0x14]  }
0x6b: {  	[tilespmem:s0], [sflag:$0x1] =	stream.indirect_vreg.gather [hbm4b:s3+s2], $0x80, v3, vm0, $0xb8;
	[tilespmem:$0x12100] =	vst v63  }
0x6c: {  	s9 =	rddreg [dreg:$0x15]  }
0x6d: {  	[tilespmem:s9], [sflag:$0x1] =	stream.indirect_vreg.gather [hbm4b:s4+s2], $0x80, v3, vm1, $0xb8;
	[tilespmem:$0x12100] =	vst v63  }
0x6e: {  	v3 =	vld [tilespmem:$0x12040];
	_ =	sdelay $0x4  }
0x6f: {  	v56 =	vshrl.u32 v3, $0x3  }
0x70: {  	v4 =	vmul.u32 $0x18, v56  }
0x71: {  	v3 =	vand.u32 $0x7, v3  }
0x72: {  	v3 =	vor.u32 v3, v4  }
0x73: {  	v4 =	vperm.xlane v3, v0;
	_ =	sdelay $0x1  }
0x74: {  	v4 =	vadd.s32 v1, v4;
	_ =	sdelay $0x1  }
0x75: {  	v3 =	vperm.xlane v3, v2;
	_ =	sdelay $0x1  }
0x76: {  	s8 =	rddreg [dreg:$0x16];
	v3 =	vadd.s32 v1, v3  }
0x77: {  	[tilespmem:s8], [sflag:$0x1] =	stream.indirect_vreg.gather [hbm4b:s3+s2], $0x80, v4, vm0, $0xb8;
	[tilespmem:$0x12100] =	vst v63  }
0x78: {  	s9 =	rddreg [dreg:$0x17]  }
0x79: {  	[tilespmem:s9], [sflag:$0x1] =	stream.indirect_vreg.gather [hbm4b:s4+s2], $0x80, v4, vm1, $0xb8;
	[tilespmem:$0x12100] =	vst v63  }
0x7a: {  	s0 =	rddreg [dreg:$0x18]  }
0x7b: {  	[tilespmem:s0], [sflag:$0x1] =	stream.indirect_vreg.gather [hbm4b:s3+s2], $0x80, v3, vm0, $0xb8;
	[tilespmem:$0x12100] =	vst v63  }
0x7c: {  	s9 =	rddreg [dreg:$0x19]  }
0x7d: {  	[tilespmem:s9], [sflag:$0x1] =	stream.indirect_vreg.gather [hbm4b:s4+s2], $0x80, v3, vm1, $0xb8;
	[tilespmem:$0x12100] =	vst v63  }
0x7e: {  	v3 =	vld [tilespmem:$0x12050];
	_ =	sdelay $0x4  }
0x7f: {  	v57 =	vshrl.u32 v3, $0x3  }
0x80: {  	v4 =	vmul.u32 $0x18, v57  }
0x81: {  	v3 =	vand.u32 $0x7, v3  }
0x82: {  	v3 =	vor.u32 v3, v4  }
0x83: {  	v4 =	vperm.xlane v3, v0;
	_ =	sdelay $0x1  }
0x84: {  	v4 =	vadd.s32 v1, v4;
	_ =	sdelay $0x1  }
0x85: {  	v3 =	vperm.xlane v3, v2  }
0x86: {  	s8 =	rddreg [dreg:$0x1b]  }
0x87: {  	s9 =	rddreg [dreg:$0x1a];
	v3 =	vadd.s32 v1, v3  }
0x88: {  	[tilespmem:s9], [sflag:$0x1] =	stream.indirect_vreg.gather [hbm4b:s3+s2], $0x80, v4, vm0, $0xb8;
	[tilespmem:$0x12100] =	vst v63  }
0x89: {  	s0 =	rddreg [dreg:$0x1d]  }
0x8a: {  	[tilespmem:s8], [sflag:$0x1] =	stream.indirect_vreg.gather [hbm4b:s4+s2], $0x80, v4, vm1, $0xb8;
	[tilespmem:$0x12100] =	vst v63  }
0x8b: {  	s9 =	rddreg [dreg:$0x1c]  }
0x8c: {  	[tilespmem:s9], [sflag:$0x1] =	stream.indirect_vreg.gather [hbm4b:s3+s2], $0x80, v3, vm0, $0xb8;
	[tilespmem:$0x12100] =	vst v63  }
0x8d: {  	s8 =	rddreg [dreg:$0x3]  }
0x8e: {  	[tilespmem:s0], [sflag:$0x1] =	stream.indirect_vreg.gather [hbm4b:s4+s2], $0x80, v3, vm1, $0xb8;
	[tilespmem:$0x12100] =	vst v63  }
0x8f: {  	s9 =	rddreg [dreg:$0x1e]  }
0x90: {  	[tilespmem:s9], [sflag:$0x2] =	stream.linear.gather [hbm4b:s8+s2], $0x60, $0x38;
	[tilespmem:$0x12100] =	vst v63  }
0x91: {  	_ =	swait.ge [sflag:s6], $0x60  }
0x92: {  	[sflag:s6] =	ssyncset.done $0x0  }
0x93: {  	[sflag:s6] =	ssyncadd.s32 $0xFFFFFFA0  }
0x94: {  	v3 =	vld [tilespmem:$0x12080];
	_ =	sdelay $0x4  }
0x95: {  	v58 =	vshrl.u32 v3, $0x3  }
0x96: {  	v4 =	vmul.u32 $0x18, v58  }
0x97: {  	v3 =	vand.u32 $0x7, v3  }
0x98: {  	v3 =	vor.u32 v3, v4  }
0x99: {  	v4 =	vperm.xlane v3, v0;
	_ =	sdelay $0x1  }
0x9a: {  	v4 =	vadd.s32 v1, v4;
	_ =	sdelay $0x1  }
0x9b: {  	v3 =	vperm.xlane v3, v2;
	_ =	sdelay $0x1  }
0x9c: {  	v3 =	vadd.s32 v1, v3  }
0x9d: {  	[tilespmem:s7], [sflag:$0x1] =	stream.indirect_vreg.gather [hbm4b:s3+s2], $0x80, v4, vm0, $0xb8;
	[tilespmem:$0x12100] =	vst v63  }
0x9e: {  	s8 =	simm.s32 $0x9800  }
0x9f: {  	[tilespmem:s8], [sflag:$0x1] =	stream.indirect_vreg.gather [hbm4b:s4+s2], $0x80, v4, vm1, $0xb8;
	[tilespmem:$0x12100] =	vst v63  }
0xa0: {  	s9 =	simm.s32 $0x9C00  }
0xa1: {  	[tilespmem:s9], [sflag:$0x1] =	stream.indirect_vreg.gather [hbm4b:s3+s2], $0x80, v3, vm0, $0xb8;
	[tilespmem:$0x12100] =	vst v63  }
0xa2: {  	_ = 	snop  }
0xa3: {  	[tilespmem:s10], [sflag:$0x1] =	stream.indirect_vreg.gather [hbm4b:s4+s2], $0x80, v3, vm1, $0xb8;
	[tilespmem:$0x12100] =	vst v63  }
0xa4: {  	v3 =	vld [tilespmem:$0x12090];
	_ =	sdelay $0x4  }
0xa5: {  	v59 =	vshrl.u32 v3, $0x3  }
0xa6: {  	v4 =	vmul.u32 $0x18, v59  }
0xa7: {  	v3 =	vand.u32 $0x7, v3  }
0xa8: {  	v3 =	vor.u32 v3, v4  }
0xa9: {  	v4 =	vperm.xlane v3, v0;
	_ =	sdelay $0x1  }
0xaa: {  	v4 =	vadd.s32 v1, v4;
	_ =	sdelay $0x1  }
0xab: {  	v3 =	vperm.xlane v3, v2;
	_ =	sdelay $0x1  }
0xac: {  	v3 =	vadd.s32 v1, v3  }
0xad: {  	[tilespmem:s11], [sflag:$0x1] =	stream.indirect_vreg.gather [hbm4b:s3+s2], $0x80, v4, vm0, $0xb8;
	[tilespmem:$0x12100] =	vst v63  }
0xae: {  	_ = 	snop  }
0xaf: {  	[tilespmem:s12], [sflag:$0x1] =	stream.indirect_vreg.gather [hbm4b:s4+s2], $0x80, v4, vm1, $0xb8;
	[tilespmem:$0x12100] =	vst v63  }
0xb0: {  	_ = 	snop  }
0xb1: {  	[tilespmem:s13], [sflag:$0x1] =	stream.indirect_vreg.gather [hbm4b:s3+s2], $0x80, v3, vm0, $0xb8;
	[tilespmem:$0x12100] =	vst v63  }
0xb2: {  	_ = 	snop  }
0xb3: {  	[tilespmem:s14], [sflag:$0x1] =	stream.indirect_vreg.gather [hbm4b:s4+s2], $0x80, v3, vm1, $0xb8;
	[tilespmem:$0x12100] =	vst v63  }
0xb4: {  	v3 =	vld [tilespmem:$0x120A0];
	_ =	sdelay $0x4  }
0xb5: {  	v60 =	vshrl.u32 v3, $0x3  }
0xb6: {  	v4 =	vmul.u32 $0x18, v60  }
0xb7: {  	v3 =	vand.u32 $0x7, v3  }
0xb8: {  	v3 =	vor.u32 v3, v4  }
0xb9: {  	v4 =	vperm.xlane v3, v0;
	_ =	sdelay $0x1  }
0xba: {  	v4 =	vadd.s32 v1, v4;
	_ =	sdelay $0x1  }
0xbb: {  	v3 =	vperm.xlane v3, v2;
	_ =	sdelay $0x1  }
0xbc: {  	v3 =	vadd.s32 v1, v3  }
0xbd: {  	[tilespmem:s15], [sflag:$0x1] =	stream.indirect_vreg.gather [hbm4b:s3+s2], $0x80, v4, vm0, $0xb8;
	[tilespmem:$0x12100] =	vst v63  }
0xbe: {  	_ = 	snop  }
0xbf: {  	[tilespmem:s16], [sflag:$0x1] =	stream.indirect_vreg.gather [hbm4b:s4+s2], $0x80, v4, vm1, $0xb8;
	[tilespmem:$0x12100] =	vst v63  }
0xc0: {  	_ = 	snop  }
0xc1: {  	[tilespmem:s17], [sflag:$0x1] =	stream.indirect_vreg.gather [hbm4b:s3+s2], $0x80, v3, vm0, $0xb8;
	[tilespmem:$0x12100] =	vst v63  }
0xc2: {  	_ = 	snop  }
0xc3: {  	[tilespmem:s18], [sflag:$0x1] =	stream.indirect_vreg.gather [hbm4b:s4+s2], $0x80, v3, vm1, $0xb8;
	[tilespmem:$0x12100] =	vst v63  }
0xc4: {  	v3 =	vld [tilespmem:$0x120B0];
	_ =	sdelay $0x4  }
0xc5: {  	v61 =	vshrl.u32 v3, $0x3  }
0xc6: {  	v4 =	vmul.u32 $0x18, v61  }
0xc7: {  	v3 =	vand.u32 $0x7, v3  }
0xc8: {  	v3 =	vor.u32 v3, v4  }
0xc9: {  	v4 =	vperm.xlane v3, v0;
	_ =	sdelay $0x1  }
0xca: {  	v4 =	vadd.s32 v1, v4;
	_ =	sdelay $0x1  }
0xcb: {  	v3 =	vperm.xlane v3, v2;
	_ =	sdelay $0x1  }
0xcc: {  	v3 =	vadd.s32 v1, v3  }
0xcd: {  	[tilespmem:s19], [sflag:$0x1] =	stream.indirect_vreg.gather [hbm4b:s3+s2], $0x80, v4, vm0, $0xb8;
	[tilespmem:$0x12100] =	vst v63  }
0xce: {  	_ = 	snop  }
0xcf: {  	[tilespmem:s20], [sflag:$0x1] =	stream.indirect_vreg.gather [hbm4b:s4+s2], $0x80, v4, vm1, $0xb8;
	[tilespmem:$0x12100] =	vst v63  }
0xd0: {  	_ = 	snop  }
0xd1: {  	[tilespmem:s21], [sflag:$0x1] =	stream.indirect_vreg.gather [hbm4b:s3+s2], $0x80, v3, vm0, $0xb8;
	[tilespmem:$0x12100] =	vst v63  }
0xd2: {  	_ = 	snop  }
0xd3: {  	[tilespmem:s22], [sflag:$0x1] =	stream.indirect_vreg.gather [hbm4b:s4+s2], $0x80, v3, vm1, $0xb8;
	[tilespmem:$0x12100] =	vst v63  }
0xd4: {  	v3 =	vld [tilespmem:$0x120C0];
	_ =	sdelay $0x4  }
0xd5: {  	v62 =	vshrl.u32 v3, $0x3  }
0xd6: {  	v4 =	vmul.u32 $0x18, v62  }
0xd7: {  	v3 =	vand.u32 $0x7, v3  }
0xd8: {  	v3 =	vor.u32 v3, v4  }
0xd9: {  	v4 =	vperm.xlane v3, v0;
	_ =	sdelay $0x1  }
0xda: {  	v4 =	vadd.s32 v1, v4;
	_ =	sdelay $0x1  }
0xdb: {  	v3 =	vperm.xlane v3, v2;
	_ =	sdelay $0x1  }
0xdc: {  	v3 =	vadd.s32 v1, v3  }
0xdd: {  	[tilespmem:s23], [sflag:$0x1] =	stream.indirect_vreg.gather [hbm4b:s3+s2], $0x80, v4, vm0, $0xb8;
	[tilespmem:$0x12100] =	vst v63  }
0xde: {  	_ = 	snop  }
0xdf: {  	[tilespmem:s24], [sflag:$0x1] =	stream.indirect_vreg.gather [hbm4b:s4+s2], $0x80, v4, vm1, $0xb8;
	[tilespmem:$0x12100] =	vst v63  }
0xe0: {  	_ = 	snop  }
0xe1: {  	[tilespmem:s25], [sflag:$0x1] =	stream.indirect_vreg.gather [hbm4b:s3+s2], $0x80, v3, vm0, $0xb8;
	[tilespmem:$0x12100] =	vst v63  }
0xe2: {  	_ = 	snop  }
0xe3: {  	[tilespmem:s26], [sflag:$0x1] =	stream.indirect_vreg.gather [hbm4b:s4+s2], $0x80, v3, vm1, $0xb8;
	[tilespmem:$0x12100] =	vst v63  }
0xe4: {  	v3 =	vld [tilespmem:$0x120D0];
	_ =	sdelay $0x4  }
0xe5: {  	v63 =	vshrl.u32 v3, $0x3  }
0xe6: {  	v4 =	vmul.u32 $0x18, v63  }
0xe7: {  	v3 =	vand.u32 $0x7, v3  }
0xe8: {  	v3 =	vor.u32 v3, v4  }
0xe9: {  	v4 =	vperm.xlane v3, v0;
	_ =	sdelay $0x1  }
0xea: {  	v4 =	vadd.s32 v1, v4;
	_ =	sdelay $0x1  }
0xeb: {  	v3 =	vperm.xlane v3, v2;
	_ =	sdelay $0x1  }
0xec: {  	v3 =	vadd.s32 v1, v3  }
0xed: {  	[tilespmem:s28], [sflag:$0x1] =	stream.indirect_vreg.gather [hbm4b:s3+s2], $0x80, v4, vm0, $0xb8;
	[tilespmem:$0x12100] =	vst v63  }
0xee: {  	_ = 	snop  }
0xef: {  	[tilespmem:s29], [sflag:$0x1] =	stream.indirect_vreg.gather [hbm4b:s4+s2], $0x80, v4, vm1, $0xb8;
	[tilespmem:$0x12100] =	vst v63  }
0xf0: {  	_ = 	snop  }
0xf1: {  	[tilespmem:s30], [sflag:$0x1] =	stream.indirect_vreg.gather [hbm4b:s3+s2], $0x80, v3, vm0, $0xb8;
	[tilespmem:$0x12100] =	vst v63  }
0xf2: {  	_ = 	snop  }
0xf3: {  	[tilespmem:s31], [sflag:$0x1] =	stream.indirect_vreg.gather [hbm4b:s4+s2], $0x80, v3, vm1, $0xb8;
	[tilespmem:$0x12100] =	vst v63  }
0xf4: {  	_ =	swait.ge [sflag:s1], $0x9000  }
0xf5: {  	[sflag:s1] =	ssyncset.done $0x0  }
0xf6: {  	s8 =	rddreg [dreg:$0x4];
	[sflag:s1] =	ssyncadd.s32 $0xFFFF7000  }
0xf7: {  	[hbm4b:s8+s2] =	stream.linear.scatter [tilespmem:s2], [sflag:$0x2], $0x9000, $0x38;
	[tilespmem:$0x12100] =	vst v63  }
0xf8: {  	_ =	swait.ge [sflag:s6], $0x9000  }
0xf9: {  	[sflag:s6] =	ssyncset.done $0x0  }
0xfa: {  	[sflag:s6] =	ssyncadd.s32 $0xFFFF7000  }
0xfb: {  	_ =	swait.ge [sflag:s1], $0x9000  }
0xfc: {  	p0 =	sne.s32 s5, $0x1;
	[sflag:s1] =	ssyncset.done $0x0  }
.Ltmp0:
0xfd: {  	s9 =	rddreg [dreg:$0x5];
	[sflag:s1] =	ssyncadd.s32 $0xFFFF7000;
	(pc) =	sbr.rel @p0 .LBB2_1-.Ltmp0, $4  }
0xfe: {  	[hbm4b:s9+s2] =	stream.linear.scatter [tilespmem:s7], [sflag:$0x2], $0x9000, $0x38;
	[tilespmem:$0x12100] =	vst v63  }
0xff: {  	_ =	swait.ge [sflag:s6], $0x9000  }
0x100: {  	[sflag:s6] =	ssyncset.done $0x0  }
0x101: {  	s5 =	sadd.s32 $0xFFFFFFFF, s5;
	[sflag:s6] =	ssyncadd.s32 $0xFFFF7000  }
0x102: {  	_ =	sfence.sel $0x180000  }
0x103: {  	[bflag:$0x0] =	sbarrier.arrive $0xFFFF  }
0x104: {  	_ =	strace $0x9000004A  }
0x105: {  	s0 =	stileid.u32;
	[bflag:$0x2] =	sbarrier.arrive $0xFFFF  }
0x106: {  	p0 =	sne.s32 s0, $0x0;
	s0 =	rddreg [dreg:$0x1]  }
0x107: {  	s0 =	sadd.s32 @!p0 $0x100000, s0  }
0x108: {  	[sflag:s0] =	ssyncadd.tile.s32 @!p0 $0x1;
	_ =	shalt  }
.Lfunc_end2:
_tile_overlayer_lowered:
.L_overlay_start_2:
0x109: {  	(tag) =	ssettag $0x2  }
0x10a: {  	s0 =	rddreg [dreg:$0x0];
	s2 =	stileid.u32  }
0x10b: {  	s1 =	rddreg [dreg:$0x1];
	p0 =	sne.s32 s2, $0x0  }
0x10c: {  	s3 =	rddreg [dreg:$0x2];
	[bflag:$0x3] =	sbarrier.arrive $0xFFFF;
	s2 =	simm.s32 @!p0 $0x1C02  }
0x10d: {  	[timem:s3], [sflag:s2] =	dma.local @!p0 [hbm:s0], s1  }
0x10e: {  	s0 =	simm.s32 @!p0 $0x2  }
0x10f: {  	_ =	swait.ge @!p0 [sflag:s0], s1  }
0x110: {  	s1 =	ssub.s32 @!p0 $0x0, s1;
	[sflag:s0] =	ssyncset.done @!p0 $0x0  }
0x111: {  	[sflag:s0] =	ssyncadd.s32 @!p0 s1  }
0x112: {  	[bflag:$0x3] =	sbarrier.arrive $0xFFFF  }
0x113: {  	_ =	shalt  }

// kernel: kernel.7.cloned.1.call-start
scs
__scs_entry_jumppad:
0x0: {  	(pc) =	sbr.rel $0x88, $3  }
0x1: {  	(tag) =	ssettag $0x0;
	lr =	simm.s32 $0x1  }
0x2: {  	[smem:$0x3F95] =	sst lr;
	_ =	strace $0xD0000000  }
0x3: {  	_ = 	snop  }
0x4: {  	_ = 	snop  }
0x5: {  	_ = 	snop  }
0x6: {  	_ = 	snop  }
0x7: {  	_ = 	snop  }
__scs_overlays_trampoline_lowered:
0x8: {  	[smem:$0x3FA4] =	sst s0  }
0x9: {  	[smem:$0x3FA5] =	sst s1  }
0xa: {  	[smem:$0x3FA6] =	sst s2  }
0xb: {  	[smem:$0x3FA7] =	sst s3  }
0xc: {  	[smem:$0x3FA8] =	sst s4  }
0xd: {  	[smem:$0x3FA9] =	sst s5  }
0xe: {  	[smem:$0x3FAA] =	sst s6  }
0xf: {  	[smem:$0x3FAB] =	sst s7  }
0x10: {  	[smem:$0x3FAC] =	sst s8  }
0x11: {  	[smem:$0x3FAD] =	sst s9;
	s0 =	simm.s32 @!p0 $0x0  }
0x12: {  	s1 =	sld [smem:$0x3F93];
	s0 =	simm.s32 @p0 $0x1  }
0x13: {  	[smem:$0x3FAE] =	sst s0;
	s0 =	simm.s32 @!p1 $0x0  }
0x14: {  	s2 =	sld [smem:$0x3F92];
	s0 =	simm.s32 @p1 $0x1  }
0x15: {  	[smem:$0x3FAF] =	sst s0;
	s0 =	simm.s32 @!p2 $0x0  }
0x16: {  	s3 =	sld [smem:$0x3FDB];
	s0 =	simm.s32 @p2 $0x1  }
0x17: {  	s4 =	simm.s32 $0x1BF5;
	[smem:$0x3FB1] =	sst s0  }
0x18: {  	s0 =	sld [smem:$0x3F94];
	_ =	swait.ge [sflag:s4], $0x0  }
0x19: {  	s7 =	sld [smem:$0x3F95]  }
0x1a: {  	s8 =	sadd.s32 $0xFFFFE003, lr  }
0x1b: {  	s9 =	sadd.s32 $0xFFFFFEF7, lr;
	s5 =	simm.s32 $0xFFFFFFFF;
	p2 =	slt.u32 s8, $0xFFFFF086  }
0x1c: {  	p1 =	slt.u32 s9, $0xF7A;
	s5 =	simm.s32 @!p2 $0x0  }
0x1d: {  	s5 =	simm.s32 @p1 $0x1;
	p0 =	seq.s32 s7, s2  }
0x1e: {  	s7 =	smul.u32 @!p0 $0xF7A, s2;
	p2 =	seq.s32 @!p0 s5, $0x0  }
0x1f: {  	s9 =	smul.u32 $0xF7A, s1;
	s8 =	simm.s32 @!p0 $0x1BF5;
	p2 =	por !p2, p0  }
0x20: {  	[sflag:s8] =	ssyncset.s32 @!p0 $0xFFFFF086;
	s6 =	sadd.s32 @!p0 s3, s7;
	s7 =	simm.s32 @!p0 $0x108  }
0x21: {  	s3 =	sadd.s32 s3, s9;
	s6 =	sadd.s32 @!p0 $0x88, s6;
	s7 =	simm.s32 @p2 $0x1082  }
0x22: {  	[simem:s7], [sflag:s8] =	dma.local @!p0 [hbm:s6], $0xF7A  }
0x23: {  	s9 =	sor.u32 $0xD0000000, s2;
	s6 =	simm.s32 $0x108;
	_ =	swait.ge @!p0 [sflag:s8], $0x0  }
0x24: {  	s3 =	sadd.s32 $0x88, s3;
	s6 =	simm.s32 @!p1 $0x1082;
	[sflag:s4] =	ssyncset.s32 $0xFFFFF086  }
0x25: {  	[simem:s6], [sflag:s4] =	dma.local [hbm:s3], $0xF7A  }
0x26: {  	[smem:$0x3F95] =	sst s1;
	(tag) =	ssettag s2;
	_ =	strace s9  }
0x27: {  	s1 =	sld [smem:$0x3FA5]  }
0x28: {  	s2 =	sld [smem:$0x3FA6]  }
0x29: {  	s4 =	sld [smem:$0x3FA8]  }
0x2a: {  	p0 =	seq.s32 s5, $0x0;
	s5 =	sld [smem:$0x3FA9]  }
0x2b: {  	s6 =	sld [smem:$0x3FAA]  }
0x2c: {  	s7 =	sld [smem:$0x3FAB]  }
0x2d: {  	s3 =	simm.s32 $0x108;
	s8 =	sld [smem:$0x3FAC]  }
0x2e: {  	s3 =	simm.s32 @!p0 $0x1082;
	s9 =	sld [smem:$0x3FAD]  }
0x2f: {  	lr =	sadd.s32 s0, s3;
	s0 =	sld [smem:$0x3FA4]  }
0x30: {  	s3 =	sld [smem:$0x3FA7]  }
0x31: {  	[smem:$0x3FB0] =	sst s10  }
0x32: {  	s10 =	sld [smem:$0x3FAE];
	_ =	sdelay $0x3  }
0x33: {  	p0 =	seq.s32 s10, $0x1;
	s10 =	sld [smem:$0x3FB0];
	_ =	sdelay $0x3  }
0x34: {  	[smem:$0x3FB0] =	sst s10  }
0x35: {  	s10 =	sld [smem:$0x3FAF];
	_ =	sdelay $0x3  }
0x36: {  	p1 =	seq.s32 s10, $0x1;
	s10 =	sld [smem:$0x3FB0];
	_ =	sdelay $0x3  }
0x37: {  	[smem:$0x3FB0] =	sst s10  }
0x38: {  	s10 =	sld [smem:$0x3FB1]  }
0x39: {  	_ = 	snop;
	(pc) =	sbr.ind lr, $3  }
0x3a: {  	_ = 	snop  }
0x3b: {  	_ = 	snop  }
0x3c: {  	p2 =	seq.s32 s10, $0x1;
	s10 =	sld [smem:$0x3FB0]  }
0x3d: {  	_ =	shalt  }
0x3e: {  	_ =	shalt  }
0x3f: {  	_ =	shalt  }
0x40: {  	_ =	shalt  }
0x41: {  	_ =	shalt  }
0x42: {  	_ =	shalt  }
0x43: {  	_ =	shalt  }
0x44: {  	_ =	shalt  }
0x45: {  	_ =	shalt  }
0x46: {  	_ =	shalt  }
0x47: {  	_ =	shalt  }
0x48: {  	_ =	shalt  }
0x49: {  	_ =	shalt  }
0x4a: {  	_ =	shalt  }
0x4b: {  	_ =	shalt  }
0x4c: {  	_ =	shalt  }
0x4d: {  	_ =	shalt  }
0x4e: {  	_ =	shalt  }
0x4f: {  	_ =	shalt  }
0x50: {  	_ =	shalt  }
0x51: {  	_ =	shalt  }
0x52: {  	_ =	shalt  }
0x53: {  	_ =	shalt  }
0x54: {  	_ =	shalt  }
0x55: {  	_ =	shalt  }
0x56: {  	_ =	shalt  }
0x57: {  	_ =	shalt  }
0x58: {  	_ =	shalt  }
0x59: {  	_ =	shalt  }
0x5a: {  	_ =	shalt  }
0x5b: {  	_ =	shalt  }
0x5c: {  	_ =	shalt  }
0x5d: {  	_ =	shalt  }
0x5e: {  	_ =	shalt  }
0x5f: {  	_ =	shalt  }
0x60: {  	_ =	shalt  }
0x61: {  	_ =	shalt  }
0x62: {  	_ =	shalt  }
0x63: {  	_ =	shalt  }
0x64: {  	_ =	shalt  }
0x65: {  	_ =	shalt  }
0x66: {  	_ =	shalt  }
0x67: {  	_ =	shalt  }
0x68: {  	_ =	shalt  }
0x69: {  	_ =	shalt  }
0x6a: {  	_ =	shalt  }
0x6b: {  	_ =	shalt  }
0x6c: {  	_ =	shalt  }
0x6d: {  	_ =	shalt  }
0x6e: {  	_ =	shalt  }
0x6f: {  	_ =	shalt  }
0x70: {  	_ =	shalt  }
0x71: {  	_ =	shalt  }
0x72: {  	_ =	shalt  }
0x73: {  	_ =	shalt  }
0x74: {  	_ =	shalt  }
0x75: {  	_ =	shalt  }
0x76: {  	_ =	shalt  }
0x77: {  	_ =	shalt  }
0x78: {  	_ =	shalt  }
0x79: {  	_ =	shalt  }
0x7a: {  	_ =	shalt  }
0x7b: {  	_ =	shalt  }
0x7c: {  	_ =	shalt  }
0x7d: {  	_ =	shalt  }
0x7e: {  	_ =	shalt  }
0x7f: {  	_ =	shalt  }
0x80: {  	_ =	shalt  }
0x81: {  	_ =	shalt  }
0x82: {  	_ =	shalt  }
0x83: {  	_ =	shalt  }
0x84: {  	_ =	shalt  }
0x85: {  	_ =	shalt  }
0x86: {  	_ =	shalt  }
0x87: {  	_ =	shalt  }
.Lfunc_end0:
.L_simem_size_0:
called_computation_lowered:
.L_overlay_start_0:
0x88: {  	s2 =	sld [smem:$0x3FD9]  }
0x89: {  	s3 =	sld [smem:$0x3FFE];
	_ =	sdelay $0x1  }
0x8a: {  	s1 =	srdreg.scid  }
0x8b: {  	s0 =	sand.u32 $0x1, s1  }
0x8c: {  	s14 =	sshll.u32 s0, $0xA;
	s2 =	sadd.s32 s3, s2  }
0x8d: {  	s2 =	sadd.s32 s2, s14  }
0x8e: {  	[smem:$0x3FBC] =	sst s2  }
0x8f: {  	_ = 	snop  }
0x90: {  	s2 =	sld [smem:$0x3FD0];
	_ =	sdelay $0x2  }
0x91: {  	s15 =	simm.s32 $0xA;
	s4 =	simm.s32 $0x10  }
0x92: {  	[smem:s4], [sflag:s15] =	dma.local [hbm:s2], $0x1  }
0x93: {  	_ =	swait.eq [sflag:s15], $0x1  }
0x94: {  	[sflag:s15] =	ssyncset.done $0x0  }
0x95: {  	[sflag:s15] =	ssyncadd.s32 $0xFFFFFFFF  }
0x96: {  	s16 =	sld [smem:$0x10];
	(tm) =	ssettm $0x1  }
0x97: {  	s17 =	sld [smem:$0x3FFB];
	_ =	sdelay $0x3  }
0x98: {  	_ =	strace s17  }
0x99: {  	s3 =	sld [smem:$0x3FFC];
	_ =	sdelay $0x3  }
0x9a: {  	_ =	strace s3  }
0x9b: {  	s3 =	sld [smem:$0x3FFD];
	_ =	sdelay $0x3  }
0x9c: {  	_ =	strace s3  }
0x9d: {  	_ =	strace $0x8FFFFFFF  }
0x9e: {  	s18 =	sld [smem:$0x3FDB];
	_ =	sdelay $0x1  }
0x9f: {  	s19 =	simm.s32 $_scs_section_size  }
0xa0: {  	s5 =	simm.s32 $_size__tile_overlayer_lowered;
	s6 =	simm.s32 $_tile_overlayer_lowered  }
0xa1: {  	s22 =	simm.s32 $0x1BFF;
	s21 =	sshll.u32 s6, $0x1;
	s3 =	sadd.s32 s19, s18  }
0xa2: {  	s7 =	simm.s32 $0x0;
	s20 =	sshll.u32 s5, $0x1;
	s5 =	sadd.s32 s21, s3  }
0xa3: {  	[timem:s7], [sflag:s22] =	dma.local [hbm:s5], s20  }
0xa4: {  	_ =	swait.ge [sflag:s22], s20  }
0xa5: {  	s4 =	ssub.s32 $0x0, s20;
	[sflag:s22] =	ssyncset.done $0x0  }
0xa6: {  	[sflag:s22] =	ssyncadd.s32 s4;
	_ =	sdelay $0x1  }
0xa7: {  	s23 =	simm.s32 $0x1B8B  }
0xa8: {  	_ =	swait.ge [sflag:s23], $0x1  }
0xa9: {  	[sflag:s23] =	ssyncset.done $0x0  }
0xaa: {  	s25 =	simm.s32 $0x1B8E;
	s24 =	sld [smem:$0x3FFE];
	[sflag:s23] =	ssyncadd.s32 $0xFFFFFFFF  }
0xab: {  	s26 =	simm.s32 $execute0_lowered;
	[smem:$0x3FD2] =	sst s25  }
0xac: {  	s5 =	sshll.u32 s26, $0x1;
	_ =	strace $0x80000046;
	[dreg:$0x1] =	wrdreg $0xFFFFFFFF  }
0xad: {  	s28 =	simm.s32 $_size_execute0_lowered;
	s3 =	sadd.s32 s3, s5;
	[dreg:$0x0] =	wrdreg $0x0  }
0xae: {  	s5 =	sshll.u32 s28, $0x1;
	[dreg:$0x2] =	wrdreg s3  }
0xaf: {  	[dreg:$0x3] =	wrdreg s5  }
0xb0: {  	[dreg:$0x4] =	wrdreg $0xC0  }
0xb1: {  	_ =	task [dreg:s7], $0x5FFFF  }
0xb2: {  	[dreg:$0x1] =	wrdreg $0xFFFFFFFF  }
0xb3: {  	[dreg:$0x0] =	wrdreg $0x60  }
0xb4: {  	[dreg:$0x2] =	wrdreg s16  }
0xb5: {  	[dreg:$0x3] =	wrdreg s24  }
0xb6: {  	[dreg:$0x4] =	wrdreg $0x9  }
0xb7: {  	_ =	task.clear_ibuf [dreg:s7], $0x5FFFF;
	_ =	strace $0x90000046  }
0xb8: {  	s29 =	simm.s32 $0x9;
	_ =	strace $0x80000048  }
0xb9: {  	_ =	swait.ge [sflag:s29], $0x1  }
0xba: {  	[sflag:s29] =	ssyncadd.s32 $0xFFFFFFFF  }
0xbb: {  	_ =	strace $0x90000048  }
0xbc: {  	_ =	sfence  }
0xbd: {  	s30 =	sld [smem:$0x0];
	_ =	sdelay $0x2  }
0xbe: {  	s31 =	sshll.u32 s1, $0xD;
	s1 =	sshrl.u32 s1, $0x2  }
0xbf: {  	s3 =	sand.u32 $0x4000, s31;
	s1 =	sadd.s32 s1, s30  }
0xc0: {  	s0 =	sor.u32 s3, s0;
	s1 =	sshll.u32 s1, $0x11  }
0xc1: {  	s0 =	sor.u32 s1, s0  }
0xc2: {  	s0 =	sadd.s32 $0x8F2B, s0  }
0xc3: {  	[sflag:s0] =	ssyncadd.remote.s32 $0x1  }
0xc4: {  	_ =	sfence.sel $0xFFFF  }
0xc5: {  	[dreg:$0x0] =	wrdreg $0xFFFFFFFF;
	(pc) =	sbr.abs _section_cstart, $3  }
0xc6: {  	[dreg:$0x1] =	wrdreg $0xFFFFFFFF  }
0xc7: {  	_ =	task.clear_ibuf [dreg:s7], $0x2FFFF;
	_ =	strace $0x9FFFFFFF  }
0xc8: {  	(tm) =	ssettm $0x7FFFFFFF  }
0xc9: {  	_ =	shalt  }
tec
execute0_lowered:
.L_overlay_start_1:
0x0: {  	(tag) =	ssettag $0x1  }
0x1: {  	s4 =	rddreg [dreg:$0x0]  }
0x2: {  	s8 =	rddreg [dreg:$0x1];
	s2 =	srdreg.scid  }
0x3: {  	s0 =	rddreg [dreg:$0x2];
	s1 =	stileid.u32  }
0x4: {  	s11 =	simm.s32 $0x6000;
	s12 =	simm.s32 $0x6080;
	s13 =	simm.s32 $0x6100  }
0x5: {  	s14 =	simm.s32 $0x800;
	s15 =	simm.s32 $0xC00;
	s16 =	simm.s32 $0x1400  }
0x6: {  	s17 =	simm.s32 $0x1800;
	s18 =	simm.s32 $0x2000;
	s19 =	simm.s32 $0x2400  }
0x7: {  	s20 =	simm.s32 $0x2C00;
	s21 =	simm.s32 $0x3000;
	s22 =	simm.s32 $0x3800  }
0x8: {  	s23 =	simm.s32 $0x3C00;
	s24 =	simm.s32 $0x4400;
	s25 =	simm.s32 $0x4800  }
0x9: {  	s28 =	simm.s32 $0x5400;
	s29 =	simm.s32 $0x5C00;
	s30 =	simm.s32 $0x1  }
0xa: {  	s3 =	sand.u32 $0x1, s2;
	s2 =	simm.s32 $0x0;
	s5 =	sshll.u32 s1, $0x4  }
0xb: {  	s6 =	sshll.u32 s3, $0x3;
	[smem:$0x7FF] =	sst s2;
	s26 =	ssub.s32 $0x2, s3  }
0xc: {  	s3 =	sadd.s32 $0x1C00, s8;
	s5 =	sor.u32 s6, s5;
	_ =	strace $0x80000047  }
0xd: {  	s31 =	sshrl.u32 s26, $0x1;
	s7 =	smul.u32 $0x180, s5;
	s9 =	sadd.s32 s5, s8  }
0xe: {  	v2 =	vlaneseq.u32;
	s10 =	ssub.s32 s26, s31;
	s8 =	sadd.s32 $0x1D00, s8;
	s26 =	simm.s32 $0x5000  }
0xf: {  	vm0 =	vmmov $0xffff;
	vm1 =	vmmov $0xff;
	v1 =	vshrl.u32 v2, $0x3;
	s5 =	sadd.s32 $0x1A00, s9;
	s6 =	sadd.s32 $0x1800, s9;
	s4 =	sadd.s32 s4, s7  }
0x10: {  	v0 =	vand.u32 $0x7, v2;
	v2 =	vor.u32 $0x8, v2;
	v1 =	vmul.u32 $0x8, v1;
	s7 =	sadd.s32 $0x1600, s9;
	s9 =	smax.u32 s10, $0x1;
	s10 =	simm.s32 $0x2  }
.LBB2_1:
0x11: {  	[tilespmem:s2], [sflag:$0x2] =	stream.linear.gather [hbm4b:s4+s2], $0x6000, $0x38;
	[tilespmem:$0x6180] =	vst v63  }
0x12: {  	_ =	swait.ge [sflag:s10], $0x6000  }
0x13: {  	[sflag:s10] =	ssyncset.done $0x0  }
0x14: {  	[sflag:s10] =	ssyncadd.s32 $0xFFFFA000  }
0x15: {  	[tilespmem:s11], [sflag:$0x2] =	stream.linear.gather [hbm4b:s5+s2], $0x40, $0x38;
	[tilespmem:$0x6180] =	vst v63  }
0x16: {  	_ =	swait.ge [sflag:s10], $0x40  }
0x17: {  	[sflag:s10] =	ssyncset.done $0x0  }
0x18: {  	[sflag:s10] =	ssyncadd.s32 $0xFFFFFFC0  }
0x19: {  	[tilespmem:s12], [sflag:$0x2] =	stream.linear.gather [hbm4b:s6+s2], $0x40, $0x38;
	[tilespmem:$0x6180] =	vst v63  }
0x1a: {  	_ =	swait.ge [sflag:s10], $0x40  }
0x1b: {  	[sflag:s10] =	ssyncset.done $0x0  }
0x1c: {  	[sflag:s10] =	ssyncadd.s32 $0xFFFFFFC0  }
0x1d: {  	[tilespmem:s13], [sflag:$0x2] =	stream.linear.gather [hbm4b:s7+s2], $0x40, $0x38;
	[tilespmem:$0x6180] =	vst v63  }
0x1e: {  	_ =	swait.ge [sflag:s10], $0x40  }
0x1f: {  	[sflag:s10] =	ssyncset.done $0x0  }
0x20: {  	[sflag:s10] =	ssyncadd.s32 $0xFFFFFFC0  }
0x21: {  	v3 =	vld [tilespmem:$0x6000];
	_ =	sdelay $0x4  }
0x22: {  	v4 =	vshrl.u32 v3, $0x3  }
0x23: {  	v4 =	vmul.u32 $0x18, v4  }
0x24: {  	v3 =	vand.u32 $0x7, v3  }
0x25: {  	v3 =	vor.u32 v3, v4  }
0x26: {  	v4 =	vperm.xlane v3, v0;
	_ =	sdelay $0x1  }
0x27: {  	v4 =	vadd.s32 v1, v4;
	_ =	sdelay $0x1  }
0x28: {  	v3 =	vperm.xlane v3, v2;
	_ =	sdelay $0x1  }
0x29: {  	v3 =	vadd.s32 v1, v3  }
0x2a: {  	[hbm4b:s3+s2] =	stream.indirect_vreg.scatter [tilespmem:s2], [sflag:$0x1], $0x80, v4, vm0, $0xb8;
	[tilespmem:$0x6180] =	vst v63  }
0x2b: {  	_ = 	snop  }
0x2c: {  	[hbm4b:s8+s2] =	stream.indirect_vreg.scatter [tilespmem:s14], [sflag:$0x1], $0x80, v4, vm1, $0xb8;
	[tilespmem:$0x6180] =	vst v63  }
0x2d: {  	_ = 	snop  }
0x2e: {  	[hbm4b:s3+s2] =	stream.indirect_vreg.scatter [tilespmem:s15], [sflag:$0x1], $0x80, v3, vm0, $0xb8;
	[tilespmem:$0x6180] =	vst v63  }
0x2f: {  	_ = 	snop  }
0x30: {  	[hbm4b:s8+s2] =	stream.indirect_vreg.scatter [tilespmem:s16], [sflag:$0x1], $0x80, v3, vm1, $0xb8;
	[tilespmem:$0x6180] =	vst v63  }
0x31: {  	v3 =	vld [tilespmem:$0x6010];
	_ =	sdelay $0x4  }
0x32: {  	v53 =	vshrl.u32 v3, $0x3  }
0x33: {  	v4 =	vmul.u32 $0x18, v53  }
0x34: {  	v3 =	vand.u32 $0x7, v3  }
0x35: {  	v3 =	vor.u32 v3, v4  }
0x36: {  	v4 =	vperm.xlane v3, v0;
	_ =	sdelay $0x1  }
0x37: {  	v4 =	vadd.s32 v1, v4;
	_ =	sdelay $0x1  }
0x38: {  	v3 =	vperm.xlane v3, v2;
	_ =	sdelay $0x1  }
0x39: {  	v3 =	vadd.s32 v1, v3  }
0x3a: {  	[hbm4b:s3+s2] =	stream.indirect_vreg.scatter [tilespmem:s17], [sflag:$0x1], $0x80, v4, vm0, $0xb8;
	[tilespmem:$0x6180] =	vst v63  }
0x3b: {  	_ = 	snop  }
0x3c: {  	[hbm4b:s8+s2] =	stream.indirect_vreg.scatter [tilespmem:s18], [sflag:$0x1], $0x80, v4, vm1, $0xb8;
	[tilespmem:$0x6180] =	vst v63  }
0x3d: {  	_ = 	snop  }
0x3e: {  	[hbm4b:s3+s2] =	stream.indirect_vreg.scatter [tilespmem:s19], [sflag:$0x1], $0x80, v3, vm0, $0xb8;
	[tilespmem:$0x6180] =	vst v63  }
0x3f: {  	_ = 	snop  }
0x40: {  	[hbm4b:s8+s2] =	stream.indirect_vreg.scatter [tilespmem:s20], [sflag:$0x1], $0x80, v3, vm1, $0xb8;
	[tilespmem:$0x6180] =	vst v63  }
0x41: {  	v3 =	vld [tilespmem:$0x6020];
	_ =	sdelay $0x4  }
0x42: {  	v54 =	vshrl.u32 v3, $0x3  }
0x43: {  	v4 =	vmul.u32 $0x18, v54  }
0x44: {  	v3 =	vand.u32 $0x7, v3  }
0x45: {  	v3 =	vor.u32 v3, v4  }
0x46: {  	v4 =	vperm.xlane v3, v0;
	_ =	sdelay $0x1  }
0x47: {  	v4 =	vadd.s32 v1, v4;
	_ =	sdelay $0x1  }
0x48: {  	v3 =	vperm.xlane v3, v2;
	_ =	sdelay $0x1  }
0x49: {  	v3 =	vadd.s32 v1, v3  }
0x4a: {  	[hbm4b:s3+s2] =	stream.indirect_vreg.scatter [tilespmem:s21], [sflag:$0x1], $0x80, v4, vm0, $0xb8;
	[tilespmem:$0x6180] =	vst v63  }
0x4b: {  	_ = 	snop  }
0x4c: {  	[hbm4b:s8+s2] =	stream.indirect_vreg.scatter [tilespmem:s22], [sflag:$0x1], $0x80, v4, vm1, $0xb8;
	[tilespmem:$0x6180] =	vst v63  }
0x4d: {  	_ = 	snop  }
0x4e: {  	[hbm4b:s3+s2] =	stream.indirect_vreg.scatter [tilespmem:s23], [sflag:$0x1], $0x80, v3, vm0, $0xb8;
	[tilespmem:$0x6180] =	vst v63  }
0x4f: {  	_ = 	snop  }
0x50: {  	[hbm4b:s8+s2] =	stream.indirect_vreg.scatter [tilespmem:s24], [sflag:$0x1], $0x80, v3, vm1, $0xb8;
	[tilespmem:$0x6180] =	vst v63  }
0x51: {  	v3 =	vld [tilespmem:$0x6030];
	_ =	sdelay $0x4  }
0x52: {  	v55 =	vshrl.u32 v3, $0x3  }
0x53: {  	v4 =	vmul.u32 $0x18, v55  }
0x54: {  	v3 =	vand.u32 $0x7, v3  }
0x55: {  	v3 =	vor.u32 v3, v4  }
0x56: {  	v4 =	vperm.xlane v3, v0;
	_ =	sdelay $0x1  }
0x57: {  	v4 =	vadd.s32 v1, v4;
	_ =	sdelay $0x1  }
0x58: {  	v3 =	vperm.xlane v3, v2;
	_ =	sdelay $0x1  }
0x59: {  	v3 =	vadd.s32 v1, v3  }
0x5a: {  	[hbm4b:s3+s2] =	stream.indirect_vreg.scatter [tilespmem:s25], [sflag:$0x1], $0x80, v4, vm0, $0xb8;
	[tilespmem:$0x6180] =	vst v63  }
0x5b: {  	_ = 	snop  }
0x5c: {  	[hbm4b:s8+s2] =	stream.indirect_vreg.scatter [tilespmem:s26], [sflag:$0x1], $0x80, v4, vm1, $0xb8;
	[tilespmem:$0x6180] =	vst v63  }
0x5d: {  	_ = 	snop  }
0x5e: {  	[hbm4b:s3+s2] =	stream.indirect_vreg.scatter [tilespmem:s28], [sflag:$0x1], $0x80, v3, vm0, $0xb8;
	[tilespmem:$0x6180] =	vst v63  }
0x5f: {  	_ = 	snop  }
0x60: {  	[hbm4b:s8+s2] =	stream.indirect_vreg.scatter [tilespmem:s29], [sflag:$0x1], $0x80, v3, vm1, $0xb8;
	[tilespmem:$0x6180] =	vst v63  }
0x61: {  	v3 =	vld [tilespmem:$0x6080];
	_ =	sdelay $0x4  }
0x62: {  	v56 =	vshrl.u32 v3, $0x3  }
0x63: {  	v4 =	vmul.u32 $0x18, v56  }
0x64: {  	v3 =	vand.u32 $0x7, v3  }
0x65: {  	v3 =	vor.u32 v3, v4  }
0x66: {  	v4 =	vperm.xlane v3, v0;
	_ =	sdelay $0x1  }
0x67: {  	v4 =	vadd.s32 v1, v4;
	_ =	sdelay $0x1  }
0x68: {  	v3 =	vperm.xlane v3, v2;
	_ =	sdelay $0x1  }
0x69: {  	v3 =	vadd.s32 v1, v3  }
0x6a: {  	[hbm4b:s3+s2] =	stream.indirect_vreg.scatter [tilespmem:s2], [sflag:$0x1], $0x80, v4, vm0, $0xb8;
	[tilespmem:$0x6180] =	vst v63  }
0x6b: {  	_ = 	snop  }
0x6c: {  	[hbm4b:s8+s2] =	stream.indirect_vreg.scatter [tilespmem:s14], [sflag:$0x1], $0x80, v4, vm1, $0xb8;
	[tilespmem:$0x6180] =	vst v63  }
0x6d: {  	_ = 	snop  }
0x6e: {  	[hbm4b:s3+s2] =	stream.indirect_vreg.scatter [tilespmem:s15], [sflag:$0x1], $0x80, v3, vm0, $0xb8;
	[tilespmem:$0x6180] =	vst v63  }
0x6f: {  	_ = 	snop  }
0x70: {  	[hbm4b:s8+s2] =	stream.indirect_vreg.scatter [tilespmem:s16], [sflag:$0x1], $0x80, v3, vm1, $0xb8;
	[tilespmem:$0x6180] =	vst v63  }
0x71: {  	v3 =	vld [tilespmem:$0x6090];
	_ =	sdelay $0x4  }
0x72: {  	v57 =	vshrl.u32 v3, $0x3  }
0x73: {  	v4 =	vmul.u32 $0x18, v57  }
0x74: {  	v3 =	vand.u32 $0x7, v3  }
0x75: {  	v3 =	vor.u32 v3, v4  }
0x76: {  	v4 =	vperm.xlane v3, v0;
	_ =	sdelay $0x1  }
0x77: {  	v4 =	vadd.s32 v1, v4;
	_ =	sdelay $0x1  }
0x78: {  	v3 =	vperm.xlane v3, v2;
	_ =	sdelay $0x1  }
0x79: {  	v3 =	vadd.s32 v1, v3  }
0x7a: {  	[hbm4b:s3+s2] =	stream.indirect_vreg.scatter [tilespmem:s17], [sflag:$0x1], $0x80, v4, vm0, $0xb8;
	[tilespmem:$0x6180] =	vst v63  }
0x7b: {  	_ = 	snop  }
0x7c: {  	[hbm4b:s8+s2] =	stream.indirect_vreg.scatter [tilespmem:s18], [sflag:$0x1], $0x80, v4, vm1, $0xb8;
	[tilespmem:$0x6180] =	vst v63  }
0x7d: {  	_ = 	snop  }
0x7e: {  	[hbm4b:s3+s2] =	stream.indirect_vreg.scatter [tilespmem:s19], [sflag:$0x1], $0x80, v3, vm0, $0xb8;
	[tilespmem:$0x6180] =	vst v63  }
0x7f: {  	_ = 	snop  }
0x80: {  	[hbm4b:s8+s2] =	stream.indirect_vreg.scatter [tilespmem:s20], [sflag:$0x1], $0x80, v3, vm1, $0xb8;
	[tilespmem:$0x6180] =	vst v63  }
0x81: {  	v3 =	vld [tilespmem:$0x60A0];
	_ =	sdelay $0x4  }
0x82: {  	v58 =	vshrl.u32 v3, $0x3  }
0x83: {  	v4 =	vmul.u32 $0x18, v58  }
0x84: {  	v3 =	vand.u32 $0x7, v3  }
0x85: {  	v3 =	vor.u32 v3, v4  }
0x86: {  	v4 =	vperm.xlane v3, v0;
	_ =	sdelay $0x1  }
0x87: {  	v4 =	vadd.s32 v1, v4;
	_ =	sdelay $0x1  }
0x88: {  	v3 =	vperm.xlane v3, v2;
	_ =	sdelay $0x1  }
0x89: {  	v3 =	vadd.s32 v1, v3  }
0x8a: {  	[hbm4b:s3+s2] =	stream.indirect_vreg.scatter [tilespmem:s21], [sflag:$0x1], $0x80, v4, vm0, $0xb8;
	[tilespmem:$0x6180] =	vst v63  }
0x8b: {  	_ = 	snop  }
0x8c: {  	[hbm4b:s8+s2] =	stream.indirect_vreg.scatter [tilespmem:s22], [sflag:$0x1], $0x80, v4, vm1, $0xb8;
	[tilespmem:$0x6180] =	vst v63  }
0x8d: {  	_ = 	snop  }
0x8e: {  	[hbm4b:s3+s2] =	stream.indirect_vreg.scatter [tilespmem:s23], [sflag:$0x1], $0x80, v3, vm0, $0xb8;
	[tilespmem:$0x6180] =	vst v63  }
0x8f: {  	_ = 	snop  }
0x90: {  	[hbm4b:s8+s2] =	stream.indirect_vreg.scatter [tilespmem:s24], [sflag:$0x1], $0x80, v3, vm1, $0xb8;
	[tilespmem:$0x6180] =	vst v63  }
0x91: {  	v3 =	vld [tilespmem:$0x60B0];
	_ =	sdelay $0x4  }
0x92: {  	v59 =	vshrl.u32 v3, $0x3  }
0x93: {  	v4 =	vmul.u32 $0x18, v59  }
0x94: {  	v3 =	vand.u32 $0x7, v3  }
0x95: {  	v3 =	vor.u32 v3, v4  }
0x96: {  	v4 =	vperm.xlane v3, v0;
	_ =	sdelay $0x1  }
0x97: {  	v4 =	vadd.s32 v1, v4;
	_ =	sdelay $0x1  }
0x98: {  	v3 =	vperm.xlane v3, v2;
	_ =	sdelay $0x1  }
0x99: {  	v3 =	vadd.s32 v1, v3  }
0x9a: {  	[hbm4b:s3+s2] =	stream.indirect_vreg.scatter [tilespmem:s25], [sflag:$0x1], $0x80, v4, vm0, $0xb8;
	[tilespmem:$0x6180] =	vst v63  }
0x9b: {  	_ = 	snop  }
0x9c: {  	[hbm4b:s8+s2] =	stream.indirect_vreg.scatter [tilespmem:s26], [sflag:$0x1], $0x80, v4, vm1, $0xb8;
	[tilespmem:$0x6180] =	vst v63  }
0x9d: {  	_ = 	snop  }
0x9e: {  	[hbm4b:s3+s2] =	stream.indirect_vreg.scatter [tilespmem:s28], [sflag:$0x1], $0x80, v3, vm0, $0xb8;
	[tilespmem:$0x6180] =	vst v63  }
0x9f: {  	_ = 	snop  }
0xa0: {  	[hbm4b:s8+s2] =	stream.indirect_vreg.scatter [tilespmem:s29], [sflag:$0x1], $0x80, v3, vm1, $0xb8;
	[tilespmem:$0x6180] =	vst v63  }
0xa1: {  	v3 =	vld [tilespmem:$0x6100];
	_ =	sdelay $0x4  }
0xa2: {  	v60 =	vshrl.u32 v3, $0x3  }
0xa3: {  	v4 =	vmul.u32 $0x18, v60  }
0xa4: {  	v3 =	vand.u32 $0x7, v3  }
0xa5: {  	v3 =	vor.u32 v3, v4  }
0xa6: {  	v4 =	vperm.xlane v3, v0;
	_ =	sdelay $0x1  }
0xa7: {  	v4 =	vadd.s32 v1, v4;
	_ =	sdelay $0x1  }
0xa8: {  	v3 =	vperm.xlane v3, v2;
	_ =	sdelay $0x1  }
0xa9: {  	v3 =	vadd.s32 v1, v3  }
0xaa: {  	[hbm4b:s3+s2] =	stream.indirect_vreg.scatter [tilespmem:s2], [sflag:$0x1], $0x80, v4, vm0, $0xb8;
	[tilespmem:$0x6180] =	vst v63  }
0xab: {  	_ = 	snop  }
0xac: {  	[hbm4b:s8+s2] =	stream.indirect_vreg.scatter [tilespmem:s14], [sflag:$0x1], $0x80, v4, vm1, $0xb8;
	[tilespmem:$0x6180] =	vst v63  }
0xad: {  	_ = 	snop  }
0xae: {  	[hbm4b:s3+s2] =	stream.indirect_vreg.scatter [tilespmem:s15], [sflag:$0x1], $0x80, v3, vm0, $0xb8;
	[tilespmem:$0x6180] =	vst v63  }
0xaf: {  	_ = 	snop  }
0xb0: {  	[hbm4b:s8+s2] =	stream.indirect_vreg.scatter [tilespmem:s16], [sflag:$0x1], $0x80, v3, vm1, $0xb8;
	[tilespmem:$0x6180] =	vst v63  }
0xb1: {  	v3 =	vld [tilespmem:$0x6110];
	_ =	sdelay $0x4  }
0xb2: {  	v61 =	vshrl.u32 v3, $0x3  }
0xb3: {  	v4 =	vmul.u32 $0x18, v61  }
0xb4: {  	v3 =	vand.u32 $0x7, v3  }
0xb5: {  	v3 =	vor.u32 v3, v4  }
0xb6: {  	v4 =	vperm.xlane v3, v0;
	_ =	sdelay $0x1  }
0xb7: {  	v4 =	vadd.s32 v1, v4;
	_ =	sdelay $0x1  }
0xb8: {  	v3 =	vperm.xlane v3, v2;
	_ =	sdelay $0x1  }
0xb9: {  	v3 =	vadd.s32 v1, v3  }
0xba: {  	[hbm4b:s3+s2] =	stream.indirect_vreg.scatter [tilespmem:s17], [sflag:$0x1], $0x80, v4, vm0, $0xb8;
	[tilespmem:$0x6180] =	vst v63  }
0xbb: {  	_ = 	snop  }
0xbc: {  	[hbm4b:s8+s2] =	stream.indirect_vreg.scatter [tilespmem:s18], [sflag:$0x1], $0x80, v4, vm1, $0xb8;
	[tilespmem:$0x6180] =	vst v63  }
0xbd: {  	_ = 	snop  }
0xbe: {  	[hbm4b:s3+s2] =	stream.indirect_vreg.scatter [tilespmem:s19], [sflag:$0x1], $0x80, v3, vm0, $0xb8;
	[tilespmem:$0x6180] =	vst v63  }
0xbf: {  	_ = 	snop  }
0xc0: {  	[hbm4b:s8+s2] =	stream.indirect_vreg.scatter [tilespmem:s20], [sflag:$0x1], $0x80, v3, vm1, $0xb8;
	[tilespmem:$0x6180] =	vst v63  }
0xc1: {  	v3 =	vld [tilespmem:$0x6120];
	_ =	sdelay $0x4  }
0xc2: {  	v62 =	vshrl.u32 v3, $0x3  }
0xc3: {  	v4 =	vmul.u32 $0x18, v62  }
0xc4: {  	v3 =	vand.u32 $0x7, v3  }
0xc5: {  	v3 =	vor.u32 v3, v4  }
0xc6: {  	v4 =	vperm.xlane v3, v0;
	_ =	sdelay $0x1  }
0xc7: {  	v4 =	vadd.s32 v1, v4;
	_ =	sdelay $0x1  }
0xc8: {  	v3 =	vperm.xlane v3, v2;
	_ =	sdelay $0x1  }
0xc9: {  	v3 =	vadd.s32 v1, v3  }
0xca: {  	[hbm4b:s3+s2] =	stream.indirect_vreg.scatter [tilespmem:s21], [sflag:$0x1], $0x80, v4, vm0, $0xb8;
	[tilespmem:$0x6180] =	vst v63  }
0xcb: {  	_ = 	snop  }
0xcc: {  	[hbm4b:s8+s2] =	stream.indirect_vreg.scatter [tilespmem:s22], [sflag:$0x1], $0x80, v4, vm1, $0xb8;
	[tilespmem:$0x6180] =	vst v63  }
0xcd: {  	_ = 	snop  }
0xce: {  	[hbm4b:s3+s2] =	stream.indirect_vreg.scatter [tilespmem:s23], [sflag:$0x1], $0x80, v3, vm0, $0xb8;
	[tilespmem:$0x6180] =	vst v63  }
0xcf: {  	_ = 	snop  }
0xd0: {  	[hbm4b:s8+s2] =	stream.indirect_vreg.scatter [tilespmem:s24], [sflag:$0x1], $0x80, v3, vm1, $0xb8;
	[tilespmem:$0x6180] =	vst v63  }
0xd1: {  	v3 =	vld [tilespmem:$0x6130];
	_ =	sdelay $0x4  }
0xd2: {  	v63 =	vshrl.u32 v3, $0x3  }
0xd3: {  	v4 =	vmul.u32 $0x18, v63  }
0xd4: {  	v3 =	vand.u32 $0x7, v3  }
0xd5: {  	v3 =	vor.u32 v3, v4  }
0xd6: {  	v4 =	vperm.xlane v3, v0;
	_ =	sdelay $0x1  }
0xd7: {  	v4 =	vadd.s32 v1, v4;
	_ =	sdelay $0x1  }
0xd8: {  	v3 =	vperm.xlane v3, v2;
	_ =	sdelay $0x1  }
0xd9: {  	v3 =	vadd.s32 v1, v3  }
0xda: {  	[hbm4b:s3+s2] =	stream.indirect_vreg.scatter [tilespmem:s25], [sflag:$0x1], $0x80, v4, vm0, $0xb8;
	[tilespmem:$0x6180] =	vst v63  }
0xdb: {  	_ = 	snop  }
0xdc: {  	[hbm4b:s8+s2] =	stream.indirect_vreg.scatter [tilespmem:s26], [sflag:$0x1], $0x80, v4, vm1, $0xb8;
	[tilespmem:$0x6180] =	vst v63  }
0xdd: {  	_ = 	snop  }
0xde: {  	[hbm4b:s3+s2] =	stream.indirect_vreg.scatter [tilespmem:s28], [sflag:$0x1], $0x80, v3, vm0, $0xb8;
	[tilespmem:$0x6180] =	vst v63  }
0xdf: {  	_ = 	snop  }
0xe0: {  	[hbm4b:s8+s2] =	stream.indirect_vreg.scatter [tilespmem:s29], [sflag:$0x1], $0x80, v3, vm1, $0xb8;
	[tilespmem:$0x6180] =	vst v63  }
0xe1: {  	_ =	swait.ge [sflag:s30], $0x6000  }
0xe2: {  	[sflag:s30] =	ssyncset.done $0x0  }
0xe3: {  	[sflag:s30] =	ssyncadd.s32 $0xFFFFA000  }
0xe4: {  	p0 =	sne.s32 s9, $0x1;
	_ =	swait.ge [sflag:s30], $0x6000  }
.Ltmp0:
0xe5: {  	[sflag:s30] =	ssyncset.done $0x0;
	(pc) =	sbr.rel @p0 .LBB2_1-.Ltmp0, $4  }
0xe6: {  	[sflag:s30] =	ssyncadd.s32 $0xFFFFA000  }
0xe7: {  	_ =	swait.ge [sflag:s30], $0x6000  }
0xe8: {  	[sflag:s30] =	ssyncset.done $0x0  }
0xe9: {  	s9 =	sadd.s32 $0xFFFFFFFF, s9;
	[sflag:s30] =	ssyncadd.s32 $0xFFFFA000  }
0xea: {  	_ =	sfence.sel $0x180000  }
0xeb: {  	[bflag:$0x0] =	sbarrier.arrive $0xFFFF  }
0xec: {  	p0 =	sne.s32 s1, $0x0;
	_ =	strace $0x90000047  }
0xed: {  	s0 =	sadd.s32 @!p0 $0x100000, s0;
	[bflag:$0x2] =	sbarrier.arrive $0xFFFF  }
0xee: {  	[sflag:s0] =	ssyncadd.tile.s32 @!p0 $0x1;
	_ =	shalt  }
.Lfunc_end2:
_tile_overlayer_lowered:
.L_overlay_start_2:
0xef: {  	(tag) =	ssettag $0x2  }
0xf0: {  	s0 =	rddreg [dreg:$0x0];
	s2 =	stileid.u32  }
0xf1: {  	s1 =	rddreg [dreg:$0x1];
	p0 =	sne.s32 s2, $0x0  }
0xf2: {  	s3 =	rddreg [dreg:$0x2];
	[bflag:$0x3] =	sbarrier.arrive $0xFFFF;
	s2 =	simm.s32 @!p0 $0x1C02  }
0xf3: {  	[timem:s3], [sflag:s2] =	dma.local @!p0 [hbm:s0], s1  }
0xf4: {  	s0 =	simm.s32 @!p0 $0x2  }
0xf5: {  	_ =	swait.ge @!p0 [sflag:s0], s1  }
0xf6: {  	s1 =	ssub.s32 @!p0 $0x0, s1;
	[sflag:s0] =	ssyncset.done @!p0 $0x0  }
0xf7: {  	[sflag:s0] =	ssyncadd.s32 @!p0 s1  }
0xf8: {  	[bflag:$0x3] =	sbarrier.arrive $0xFFFF  }
0xf9: {  	_ =	shalt  }

</sc_bundles>
